<compile_context>
chip_gen: v7x
topology: tpu7x:2x2x1
jax: 0.10.2.dev20260603
libtpu: 0.0.44.dev20260713+nightly
codegen_flags: <defaults>
</compile_context>

<pallas_src>
import functools

import jax
import jax.numpy as jnp
from jax import lax
from jax.experimental import pallas as pl
from jax.experimental.pallas import tpu as pltpu
from jax.experimental.pallas import tpu_sc as plsc

_N = 1048576
_T = 1000
_NC = 2
_NS = 16
_NW = _NC * _NS
_PER_W = _N // _NW
_CHUNK = 8192
_NBUF = 2
_L = 16
_SCHED = (4096, 8192, 8192, 8192, 4096)
assert sum(_SCHED) == _PER_W and max(_SCHED) <= _CHUNK


def _popart_body(values_hbm, ids_hbm, tbl_hbm,
                 out_n_hbm, out_u_hbm, tbl_v, *rest):
    ids_bufs = list(rest[0:_NBUF])
    vals_bufs = list(rest[_NBUF:2 * _NBUF])
    on_bufs = list(rest[2 * _NBUF:3 * _NBUF])
    ou_bufs = list(rest[3 * _NBUF:4 * _NBUF])
    sin = list(rest[4 * _NBUF:5 * _NBUF])
    sout = list(rest[5 * _NBUF:6 * _NBUF])
    tsem = rest[6 * _NBUF]

    wid = lax.axis_index("s") * _NC + lax.axis_index("c")
    base = wid * _PER_W

    offs = []
    o = 0
    for sz in _SCHED:
        offs.append(o)
        o += sz
    nch = len(_SCHED)

    def start_in(ci):
        bi = ci % _NBUF
        off = base + offs[ci]
        sz = _SCHED[ci]
        h1 = pltpu.async_copy(ids_hbm.at[pl.ds(off, sz)],
                              ids_bufs[bi].at[pl.ds(0, sz)], sin[bi])
        h2 = pltpu.async_copy(values_hbm.at[pl.ds(off, sz)],
                              vals_bufs[bi].at[pl.ds(0, sz)], sin[bi])
        return (h1, h2)

    in_h = [None] * nch
    out_h = [None] * nch
    in_h[0] = start_in(0)
    pltpu.async_copy(tbl_hbm, tbl_v, tsem).wait()

    for ci in range(nch):
        bi = ci % _NBUF
        if ci + 1 < nch:
            in_h[ci + 1] = start_in(ci + 1)
        in_h[ci][0].wait()
        in_h[ci][1].wait()
        if ci >= _NBUF:
            out_h[ci - _NBUF][0].wait()
            out_h[ci - _NBUF][1].wait()

        iv, vv = ids_bufs[bi], vals_bufs[bi]
        onv, ouv = on_bufs[bi], ou_bufs[bi]

        @plsc.parallel_loop(0, _SCHED[ci] // _L, unroll=4)
        def vec_body(j):
            sl = pl.ds(j * _L, _L)
            tid = iv[sl]
            xv = vv[sl]
            wv = plsc.load_gather(tbl_v, [tid])
            bv = plsc.load_gather(tbl_v, [tid + 1024])
            sv = plsc.load_gather(tbl_v, [tid + 2048])
            mv = plsc.load_gather(tbl_v, [tid + 3072])
            nv = wv * xv + bv
            onv[sl] = nv
            ouv[sl] = sv * nv + mv

        off = base + offs[ci]
        sz = _SCHED[ci]
        out_h[ci] = (
            pltpu.async_copy(on_bufs[bi].at[pl.ds(0, sz)],
                             out_n_hbm.at[pl.ds(off, sz)], sout[bi]),
            pltpu.async_copy(ou_bufs[bi].at[pl.ds(0, sz)],
                             out_u_hbm.at[pl.ds(off, sz)], sout[bi]),
        )

    for ci in range(max(0, nch - _NBUF), nch):
        out_h[ci][0].wait()
        out_h[ci][1].wait()


@jax.jit
def kernel(values, task_ids, w, b, sigma, mu):
    mesh = plsc.VectorSubcoreMesh(core_axis_name="c", subcore_axis_name="s")
    f = pl.kernel(
        _popart_body,
        mesh=mesh,
        out_type=[
            jax.ShapeDtypeStruct((_N,), jnp.float32),
            jax.ShapeDtypeStruct((_N,), jnp.float32),
        ],
        scratch_types=(
            [pltpu.VMEM((4096,), jnp.float32)]
            + [pltpu.VMEM((_CHUNK,), jnp.int32)] * _NBUF
            + [pltpu.VMEM((_CHUNK,), jnp.float32)] * (3 * _NBUF)
            + [pltpu.SemaphoreType.DMA] * (2 * _NBUF + 1)
        ),
        compiler_params=pltpu.CompilerParams(needs_layout_passes=False),
    )
    pad = (0, 1024 - _T)
    tbl = jnp.concatenate(
        [jnp.pad(w, pad), jnp.pad(b, pad), jnp.pad(sigma, pad), jnp.pad(mu, pad)])
    out_n, out_u = f(values, task_ids, tbl)
    return (out_n, out_u)

# --- scband reference (transcript-rebuilt; emitter-appended) ---
"""Pipeline reference for scband-pop-art-51393578664683 (READ-ONLY COPY).

The authoritative reference and input builder live on the scoring server;
editing this copy changes nothing except your own understanding.
"""

import jax, jax.numpy as jnp
import numpy as np

NUM_TASKS = 1000
N = 1048576

def setup_inputs(seed: int = 0) -> dict:
    key = jax.random.key(seed)
    k1, k2 = jax.random.split(key)
    values = jax.random.normal(k1, (N,), dtype=jnp.float32)
    task_ids = jax.random.randint(k2, (N,), 0, NUM_TASKS, dtype=jnp.int32)
    # learned parameters / buffers sized per len(global_task_ids)=NUM_TASKS
    w = jnp.ones((NUM_TASKS,), dtype=jnp.float32)
    b = jnp.zeros((NUM_TASKS,), dtype=jnp.float32)
    sigma = jnp.ones((NUM_TASKS,), dtype=jnp.float32)
    mu = jnp.zeros((NUM_TASKS,), dtype=jnp.float32)
    return {"values": values, "task_ids": task_ids, "w": w, "b": b, "sigma": sigma, "mu": mu}

def reference(values, task_ids, w, b, sigma, mu):
    # normalized_values = w.gather(0, task_ids) * values + b.gather(0, task_ids)
    normalized_values = jnp.take(w, task_ids, axis=0) * values + jnp.take(b, task_ids, axis=0)
    # unnorm_values = sigma.gather(0, task_ids) * normalized_values + mu.gather(0, task_ids)
    unnorm_values = jnp.take(sigma, task_ids, axis=0) * normalized_values + jnp.take(mu, task_ids, axis=0)
    return (normalized_values, unnorm_values)

if __name__ == "__main__":
    import jax
    _d = setup_inputs()
    print(jax.jit(kernel)(*tuple(_d.values())))

</pallas_src>

<mosaic_0001>
#map = affine_map<(d0, d1) -> (0)>
module attributes {stable_mosaic.version = 14 : i64} {
  func.func @_popart_body(%arg0: i32, %arg1: i32, %arg2: memref<1048576xf32, #tpu.memory_space<hbm>>, %arg3: memref<1048576xi32, #tpu.memory_space<hbm>>, %arg4: memref<4096xf32, #tpu.memory_space<hbm>>, %arg5: memref<1048576xf32, #tpu.memory_space<hbm>>, %arg6: memref<1048576xf32, #tpu.memory_space<hbm>>, %arg7: memref<4096xf32, #tpu.memory_space<vmem>>, %arg8: memref<8192xi32, #tpu.memory_space<vmem>>, %arg9: memref<8192xi32, #tpu.memory_space<vmem>>, %arg10: memref<8192xf32, #tpu.memory_space<vmem>>, %arg11: memref<8192xf32, #tpu.memory_space<vmem>>, %arg12: memref<8192xf32, #tpu.memory_space<vmem>>, %arg13: memref<8192xf32, #tpu.memory_space<vmem>>, %arg14: memref<8192xf32, #tpu.memory_space<vmem>>, %arg15: memref<8192xf32, #tpu.memory_space<vmem>>, %arg16: memref<!tpu.dma_semaphore, #tpu.memory_space<semaphore_mem>>, %arg17: memref<!tpu.dma_semaphore, #tpu.memory_space<semaphore_mem>>, %arg18: memref<!tpu.dma_semaphore, #tpu.memory_space<semaphore_mem>>, %arg19: memref<!tpu.dma_semaphore, #tpu.memory_space<semaphore_mem>>, %arg20: memref<!tpu.dma_semaphore, #tpu.memory_space<semaphore_mem>>) attributes {dimension_semantics = [#tpu.dimension_semantics<core_parallel>, #tpu.dimension_semantics<subcore_parallel>], iteration_bounds = array<i64: 2, 16>, scalar_prefetch = 0 : i64, scratch_operands = 14 : i64, tpu.core_type = #tpu.core_type<sc_vector_subcore>, window_params = [{transform_indices = #map}, {transform_indices = #map}, {transform_indices = #map}, {transform_indices = #map}, {transform_indices = #map}]} {
    %mul3A = arith.constant 2 : i32
    %mul3A_0 = arith.muli %arg1, %mul3A : i32
    %add3A = arith.addi %mul3A_0, %arg0 : i32
    %mul3A_1 = arith.constant 32768 : i32
    %mul3A_2 = arith.muli %add3A, %mul3A_1 : i32
    %add3A_3 = arith.constant 0 : i32
    %add3A_4 = arith.addi %mul3A_2, %add3A_3 : i32
    %dma_start3A = arith.constant 0 : i32
    %dma_start3A_5 = tpu.memref_slice %arg8[%dma_start3A] : memref<8192xi32, #tpu.memory_space<vmem>> -> memref<4096xi32, #tpu.memory_space<vmem>>
    %dma_start3A_6 = tpu.memref_slice %arg3[%add3A_4] : memref<1048576xi32, #tpu.memory_space<hbm>> -> memref<4096xi32, #tpu.memory_space<hbm>>
    %dma_start3A_7 = arith.constant 0 : i32
    %dma_start3A_8 = tpu.memref_slice %arg8[%dma_start3A_7] : memref<8192xi32, #tpu.memory_space<vmem>> -> memref<4096xi32, #tpu.memory_space<vmem>>
    %dma_start3A_9 = tpu.memref_slice %arg3[%add3A_4] : memref<1048576xi32, #tpu.memory_space<hbm>> -> memref<4096xi32, #tpu.memory_space<hbm>>
    tpu.enqueue_dma source(%dma_start3A_9 : memref<4096xi32, #tpu.memory_space<hbm>>) target(%dma_start3A_8 : memref<4096xi32, #tpu.memory_space<vmem>>) target_semaphore(%arg16 : memref<!tpu.dma_semaphore, #tpu.memory_space<semaphore_mem>>)
    %dma_start3A_10 = arith.constant 0 : i32
    %dma_start3A_11 = tpu.memref_slice %arg10[%dma_start3A_10] : memref<8192xf32, #tpu.memory_space<vmem>> -> memref<4096xf32, #tpu.memory_space<vmem>>
    %dma_start3A_12 = tpu.memref_slice %arg2[%add3A_4] : memref<1048576xf32, #tpu.memory_space<hbm>> -> memref<4096xf32, #tpu.memory_space<hbm>>
    %dma_start3A_13 = arith.constant 0 : i32
    %dma_start3A_14 = tpu.memref_slice %arg10[%dma_start3A_13] : memref<8192xf32, #tpu.memory_space<vmem>> -> memref<4096xf32, #tpu.memory_space<vmem>>
    %dma_start3A_15 = tpu.memref_slice %arg2[%add3A_4] : memref<1048576xf32, #tpu.memory_space<hbm>> -> memref<4096xf32, #tpu.memory_space<hbm>>
    tpu.enqueue_dma source(%dma_start3A_15 : memref<4096xf32, #tpu.memory_space<hbm>>) target(%dma_start3A_14 : memref<4096xf32, #tpu.memory_space<vmem>>) target_semaphore(%arg16 : memref<!tpu.dma_semaphore, #tpu.memory_space<semaphore_mem>>)
    tpu.enqueue_dma source(%arg4 : memref<4096xf32, #tpu.memory_space<hbm>>) target(%arg7 : memref<4096xf32, #tpu.memory_space<vmem>>) target_semaphore(%arg20 : memref<!tpu.dma_semaphore, #tpu.memory_space<semaphore_mem>>)
    tpu.wait_dma2 semaphore(%arg20 : memref<!tpu.dma_semaphore, #tpu.memory_space<semaphore_mem>>) src(%arg4 : memref<4096xf32, #tpu.memory_space<hbm>>) dst(%arg7 : memref<4096xf32, #tpu.memory_space<vmem>>)
    %add3A_16 = arith.constant 4096 : i32
    %add3A_17 = arith.addi %mul3A_2, %add3A_16 : i32
    %dma_start3A_18 = arith.constant 0 : i32
    %dma_start3A_19 = tpu.memref_slice %arg9[%dma_start3A_18] : memref<8192xi32, #tpu.memory_space<vmem>> -> memref<8192xi32, #tpu.memory_space<vmem>>
    %dma_start3A_20 = tpu.memref_slice %arg3[%add3A_17] : memref<1048576xi32, #tpu.memory_space<hbm>> -> memref<8192xi32, #tpu.memory_space<hbm>>
    %dma_start3A_21 = arith.constant 0 : i32
    %dma_start3A_22 = tpu.memref_slice %arg9[%dma_start3A_21] : memref<8192xi32, #tpu.memory_space<vmem>> -> memref<8192xi32, #tpu.memory_space<vmem>>
    %dma_start3A_23 = tpu.memref_slice %arg3[%add3A_17] : memref<1048576xi32, #tpu.memory_space<hbm>> -> memref<8192xi32, #tpu.memory_space<hbm>>
    tpu.enqueue_dma source(%dma_start3A_23 : memref<8192xi32, #tpu.memory_space<hbm>>) target(%dma_start3A_22 : memref<8192xi32, #tpu.memory_space<vmem>>) target_semaphore(%arg17 : memref<!tpu.dma_semaphore, #tpu.memory_space<semaphore_mem>>)
    %dma_start3A_24 = arith.constant 0 : i32
    %dma_start3A_25 = tpu.memref_slice %arg11[%dma_start3A_24] : memref<8192xf32, #tpu.memory_space<vmem>> -> memref<8192xf32, #tpu.memory_space<vmem>>
    %dma_start3A_26 = tpu.memref_slice %arg2[%add3A_17] : memref<1048576xf32, #tpu.memory_space<hbm>> -> memref<8192xf32, #tpu.memory_space<hbm>>
    %dma_start3A_27 = arith.constant 0 : i32
    %dma_start3A_28 = tpu.memref_slice %arg11[%dma_start3A_27] : memref<8192xf32, #tpu.memory_space<vmem>> -> memref<8192xf32, #tpu.memory_space<vmem>>
    %dma_start3A_29 = tpu.memref_slice %arg2[%add3A_17] : memref<1048576xf32, #tpu.memory_space<hbm>> -> memref<8192xf32, #tpu.memory_space<hbm>>
    tpu.enqueue_dma source(%dma_start3A_29 : memref<8192xf32, #tpu.memory_space<hbm>>) target(%dma_start3A_28 : memref<8192xf32, #tpu.memory_space<vmem>>) target_semaphore(%arg17 : memref<!tpu.dma_semaphore, #tpu.memory_space<semaphore_mem>>)
    %dma_wait3A = arith.constant 0 : i32
    %dma_wait3A_30 = tpu.memref_slice %arg8[%dma_wait3A] : memref<8192xi32, #tpu.memory_space<vmem>> -> memref<4096xi32, #tpu.memory_space<vmem>>
    %dma_wait3A_31 = tpu.memref_slice %arg3[%add3A_4] : memref<1048576xi32, #tpu.memory_space<hbm>> -> memref<4096xi32, #tpu.memory_space<hbm>>
    %dma_wait3A_32 = arith.constant 0 : i32
    %dma_wait3A_33 = tpu.memref_slice %arg8[%dma_wait3A_32] : memref<8192xi32, #tpu.memory_space<vmem>> -> memref<4096xi32, #tpu.memory_space<vmem>>
    %dma_wait3A_34 = tpu.memref_slice %arg3[%add3A_4] : memref<1048576xi32, #tpu.memory_space<hbm>> -> memref<4096xi32, #tpu.memory_space<hbm>>
    tpu.wait_dma2 semaphore(%arg16 : memref<!tpu.dma_semaphore, #tpu.memory_space<semaphore_mem>>) src(%dma_wait3A_34 : memref<4096xi32, #tpu.memory_space<hbm>>) dst(%dma_wait3A_33 : memref<4096xi32, #tpu.memory_space<vmem>>)
    %dma_wait3A_35 = arith.constant 0 : i32
    %dma_wait3A_36 = tpu.memref_slice %arg10[%dma_wait3A_35] : memref<8192xf32, #tpu.memory_space<vmem>> -> memref<4096xf32, #tpu.memory_space<vmem>>
    %dma_wait3A_37 = tpu.memref_slice %arg2[%add3A_4] : memref<1048576xf32, #tpu.memory_space<hbm>> -> memref<4096xf32, #tpu.memory_space<hbm>>
    %dma_wait3A_38 = arith.constant 0 : i32
    %dma_wait3A_39 = tpu.memref_slice %arg10[%dma_wait3A_38] : memref<8192xf32, #tpu.memory_space<vmem>> -> memref<4096xf32, #tpu.memory_space<vmem>>
    %dma_wait3A_40 = tpu.memref_slice %arg2[%add3A_4] : memref<1048576xf32, #tpu.memory_space<hbm>> -> memref<4096xf32, #tpu.memory_space<hbm>>
    tpu.wait_dma2 semaphore(%arg16 : memref<!tpu.dma_semaphore, #tpu.memory_space<semaphore_mem>>) src(%dma_wait3A_40 : memref<4096xf32, #tpu.memory_space<hbm>>) dst(%dma_wait3A_39 : memref<4096xf32, #tpu.memory_space<vmem>>)
    %parallel_loop3A = arith.constant 0 : i32
    %parallel_loop3A_41 = arith.constant 256 : i32
    %parallel_loop3A_42 = arith.constant 1 : i32
    scf.for %parallel_loop3A_275 = %parallel_loop3A to %parallel_loop3A_41 step %parallel_loop3A_42  : i32 {
      %parallel_loop3A_276 = arith.constant 16 : i32
      %parallel_loop3A_277 = arith.muli %parallel_loop3A_275, %parallel_loop3A_276 : i32
      %parallel_loop3A_278 = arith.index_cast %parallel_loop3A_277 : i32 to index
      %parallel_loop3A_279 = tpu.vector_load %arg8[%parallel_loop3A_278] {strides = array<i32>} : memref<8192xi32, #tpu.memory_space<vmem>>, vector<16xi32>,
      %parallel_loop3A_280 = arith.index_cast %parallel_loop3A_277 : i32 to index
      %parallel_loop3A_281 = tpu.vector_load %arg10[%parallel_loop3A_280] {strides = array<i32>} : memref<8192xf32, #tpu.memory_space<vmem>>, vector<16xf32>,
      %parallel_loop3A_282 = tpu.vector_load_idx %arg7[%parallel_loop3A_279] : memref<4096xf32, #tpu.memory_space<vmem>>[vector<16xi32>], vector<16xf32>,
      %parallel_loop3A_283 = arith.constant 1024 : i32
      %parallel_loop3A_284 = vector.broadcast %parallel_loop3A_283 : i32 to vector<16xi32>
      %parallel_loop3A_285 = arith.addi %parallel_loop3A_279, %parallel_loop3A_284 : vector<16xi32>
      %parallel_loop3A_286 = tpu.vector_load_idx %arg7[%parallel_loop3A_285] : memref<4096xf32, #tpu.memory_space<vmem>>[vector<16xi32>], vector<16xf32>,
      %parallel_loop3A_287 = arith.constant 2048 : i32
      %parallel_loop3A_288 = vector.broadcast %parallel_loop3A_287 : i32 to vector<16xi32>
      %parallel_loop3A_289 = arith.addi %parallel_loop3A_279, %parallel_loop3A_288 : vector<16xi32>
      %parallel_loop3A_290 = tpu.vector_load_idx %arg7[%parallel_loop3A_289] : memref<4096xf32, #tpu.memory_space<vmem>>[vector<16xi32>], vector<16xf32>,
      %parallel_loop3A_291 = arith.constant 3072 : i32
      %parallel_loop3A_292 = vector.broadcast %parallel_loop3A_291 : i32 to vector<16xi32>
      %parallel_loop3A_293 = arith.addi %parallel_loop3A_279, %parallel_loop3A_292 : vector<16xi32>
      %parallel_loop3A_294 = tpu.vector_load_idx %arg7[%parallel_loop3A_293] : memref<4096xf32, #tpu.memory_space<vmem>>[vector<16xi32>], vector<16xf32>,
      %parallel_loop3A_295 = arith.mulf %parallel_loop3A_282, %parallel_loop3A_281 : vector<16xf32>
      %parallel_loop3A_296 = arith.addf %parallel_loop3A_295, %parallel_loop3A_286 : vector<16xf32>
      %parallel_loop3A_297 = arith.index_cast %parallel_loop3A_277 : i32 to index
      %parallel_loop3A_298 = tpu.vector_load %arg12[%parallel_loop3A_297] {strides = array<i32>} : memref<8192xf32, #tpu.memory_space<vmem>>, vector<16xf32>,
      tpu.vector_store %arg12[%parallel_loop3A_297], %parallel_loop3A_296 {strides = array<i32>} : memref<8192xf32, #tpu.memory_space<vmem>>, vector<16xf32>,
      %parallel_loop3A_299 = arith.mulf %parallel_loop3A_290, %parallel_loop3A_296 : vector<16xf32>
      %parallel_loop3A_300 = arith.addf %parallel_loop3A_299, %parallel_loop3A_294 : vector<16xf32>
      %parallel_loop3A_301 = arith.index_cast %parallel_loop3A_277 : i32 to index
      %parallel_loop3A_302 = tpu.vector_load %arg14[%parallel_loop3A_301] {strides = array<i32>} : memref<8192xf32, #tpu.memory_space<vmem>>, vector<16xf32>,
      tpu.vector_store %arg14[%parallel_loop3A_301], %parallel_loop3A_300 {strides = array<i32>} : memref<8192xf32, #tpu.memory_space<vmem>>, vector<16xf32>,
    } {sc.loop_unroll_factor = 4 : i64, sc.parallel_access}
    %add3A_43 = arith.constant 0 : i32
    %add3A_44 = arith.addi %mul3A_2, %add3A_43 : i32
    %dma_start3A_45 = arith.constant 0 : i32
    %dma_start3A_46 = tpu.memref_slice %arg12[%dma_start3A_45] : memref<8192xf32, #tpu.memory_space<vmem>> -> memref<4096xf32, #tpu.memory_space<vmem>>
    %dma_start3A_47 = tpu.memref_slice %arg5[%add3A_44] : memref<1048576xf32, #tpu.memory_space<hbm>> -> memref<4096xf32, #tpu.memory_space<hbm>>
    %dma_start3A_48 = tpu.memref_slice %arg5[%add3A_44] : memref<1048576xf32, #tpu.memory_space<hbm>> -> memref<4096xf32, #tpu.memory_space<hbm>>
    %dma_start3A_49 = arith.constant 0 : i32
    %dma_start3A_50 = tpu.memref_slice %arg12[%dma_start3A_49] : memref<8192xf32, #tpu.memory_space<vmem>> -> memref<4096xf32, #tpu.memory_space<vmem>>
    tpu.enqueue_dma source(%dma_start3A_50 : memref<4096xf32, #tpu.memory_space<vmem>>) target(%dma_start3A_48 : memref<4096xf32, #tpu.memory_space<hbm>>) target_semaphore(%arg18 : memref<!tpu.dma_semaphore, #tpu.memory_space<semaphore_mem>>)
    %dma_start3A_51 = arith.constant 0 : i32
    %dma_start3A_52 = tpu.memref_slice %arg14[%dma_start3A_51] : memref<8192xf32, #tpu.memory_space<vmem>> -> memref<4096xf32, #tpu.memory_space<vmem>>
    %dma_start3A_53 = tpu.memref_slice %arg6[%add3A_44] : memref<1048576xf32, #tpu.memory_space<hbm>> -> memref<4096xf32, #tpu.memory_space<hbm>>
    %dma_start3A_54 = tpu.memref_slice %arg6[%add3A_44] : memref<1048576xf32, #tpu.memory_space<hbm>> -> memref<4096xf32, #tpu.memory_space<hbm>>
    %dma_start3A_55 = arith.constant 0 : i32
    %dma_start3A_56 = tpu.memref_slice %arg14[%dma_start3A_55] : memref<8192xf32, #tpu.memory_space<vmem>> -> memref<4096xf32, #tpu.memory_space<vmem>>
    tpu.enqueue_dma source(%dma_start3A_56 : memref<4096xf32, #tpu.memory_space<vmem>>) target(%dma_start3A_54 : memref<4096xf32, #tpu.memory_space<hbm>>) target_semaphore(%arg18 : memref<!tpu.dma_semaphore, #tpu.memory_space<semaphore_mem>>)
    %add3A_57 = arith.constant 12288 : i32
    %add3A_58 = arith.addi %mul3A_2, %add3A_57 : i32
    %dma_start3A_59 = arith.constant 0 : i32
    %dma_start3A_60 = tpu.memref_slice %arg8[%dma_start3A_59] : memref<8192xi32, #tpu.memory_space<vmem>> -> memref<8192xi32, #tpu.memory_space<vmem>>
    %dma_start3A_61 = tpu.memref_slice %arg3[%add3A_58] : memref<1048576xi32, #tpu.memory_space<hbm>> -> memref<8192xi32, #tpu.memory_space<hbm>>
    %dma_start3A_62 = arith.constant 0 : i32
    %dma_start3A_63 = tpu.memref_slice %arg8[%dma_start3A_62] : memref<8192xi32, #tpu.memory_space<vmem>> -> memref<8192xi32, #tpu.memory_space<vmem>>
    %dma_start3A_64 = tpu.memref_slice %arg3[%add3A_58] : memref<1048576xi32, #tpu.memory_space<hbm>> -> memref<8192xi32, #tpu.memory_space<hbm>>
    tpu.enqueue_dma source(%dma_start3A_64 : memref<8192xi32, #tpu.memory_space<hbm>>) target(%dma_start3A_63 : memref<8192xi32, #tpu.memory_space<vmem>>) target_semaphore(%arg16 : memref<!tpu.dma_semaphore, #tpu.memory_space<semaphore_mem>>)
    %dma_start3A_65 = arith.constant 0 : i32
    %dma_start3A_66 = tpu.memref_slice %arg10[%dma_start3A_65] : memref<8192xf32, #tpu.memory_space<vmem>> -> memref<8192xf32, #tpu.memory_space<vmem>>
    %dma_start3A_67 = tpu.memref_slice %arg2[%add3A_58] : memref<1048576xf32, #tpu.memory_space<hbm>> -> memref<8192xf32, #tpu.memory_space<hbm>>
    %dma_start3A_68 = arith.constant 0 : i32
    %dma_start3A_69 = tpu.memref_slice %arg10[%dma_start3A_68] : memref<8192xf32, #tpu.memory_space<vmem>> -> memref<8192xf32, #tpu.memory_space<vmem>>
    %dma_start3A_70 = tpu.memref_slice %arg2[%add3A_58] : memref<1048576xf32, #tpu.memory_space<hbm>> -> memref<8192xf32, #tpu.memory_space<hbm>>
    tpu.enqueue_dma source(%dma_start3A_70 : memref<8192xf32, #tpu.memory_space<hbm>>) target(%dma_start3A_69 : memref<8192xf32, #tpu.memory_space<vmem>>) target_semaphore(%arg16 : memref<!tpu.dma_semaphore, #tpu.memory_space<semaphore_mem>>)
    %dma_wait3A_71 = arith.constant 0 : i32
    %dma_wait3A_72 = tpu.memref_slice %arg9[%dma_wait3A_71] : memref<8192xi32, #tpu.memory_space<vmem>> -> memref<8192xi32, #tpu.memory_space<vmem>>
    %dma_wait3A_73 = tpu.memref_slice %arg3[%add3A_17] : memref<1048576xi32, #tpu.memory_space<hbm>> -> memref<8192xi32, #tpu.memory_space<hbm>>
    %dma_wait3A_74 = arith.constant 0 : i32
    %dma_wait3A_75 = tpu.memref_slice %arg9[%dma_wait3A_74] : memref<8192xi32, #tpu.memory_space<vmem>> -> memref<8192xi32, #tpu.memory_space<vmem>>
    %dma_wait3A_76 = tpu.memref_slice %arg3[%add3A_17] : memref<1048576xi32, #tpu.memory_space<hbm>> -> memref<8192xi32, #tpu.memory_space<hbm>>
    tpu.wait_dma2 semaphore(%arg17 : memref<!tpu.dma_semaphore, #tpu.memory_space<semaphore_mem>>) src(%dma_wait3A_76 : memref<8192xi32, #tpu.memory_space<hbm>>) dst(%dma_wait3A_75 : memref<8192xi32, #tpu.memory_space<vmem>>)
    %dma_wait3A_77 = arith.constant 0 : i32
    %dma_wait3A_78 = tpu.memref_slice %arg11[%dma_wait3A_77] : memref<8192xf32, #tpu.memory_space<vmem>> -> memref<8192xf32, #tpu.memory_space<vmem>>
    %dma_wait3A_79 = tpu.memref_slice %arg2[%add3A_17] : memref<1048576xf32, #tpu.memory_space<hbm>> -> memref<8192xf32, #tpu.memory_space<hbm>>
    %dma_wait3A_80 = arith.constant 0 : i32
    %dma_wait3A_81 = tpu.memref_slice %arg11[%dma_wait3A_80] : memref<8192xf32, #tpu.memory_space<vmem>> -> memref<8192xf32, #tpu.memory_space<vmem>>
    %dma_wait3A_82 = tpu.memref_slice %arg2[%add3A_17] : memref<1048576xf32, #tpu.memory_space<hbm>> -> memref<8192xf32, #tpu.memory_space<hbm>>
    tpu.wait_dma2 semaphore(%arg17 : memref<!tpu.dma_semaphore, #tpu.memory_space<semaphore_mem>>) src(%dma_wait3A_82 : memref<8192xf32, #tpu.memory_space<hbm>>) dst(%dma_wait3A_81 : memref<8192xf32, #tpu.memory_space<vmem>>)
    %parallel_loop3A_83 = arith.constant 0 : i32
    %parallel_loop3A_84 = arith.constant 512 : i32
    %parallel_loop3A_85 = arith.constant 1 : i32
    scf.for %parallel_loop3A_275 = %parallel_loop3A_83 to %parallel_loop3A_84 step %parallel_loop3A_85  : i32 {
      %parallel_loop3A_276 = arith.constant 16 : i32
      %parallel_loop3A_277 = arith.muli %parallel_loop3A_275, %parallel_loop3A_276 : i32
      %parallel_loop3A_278 = arith.index_cast %parallel_loop3A_277 : i32 to index
      %parallel_loop3A_279 = tpu.vector_load %arg9[%parallel_loop3A_278] {strides = array<i32>} : memref<8192xi32, #tpu.memory_space<vmem>>, vector<16xi32>,
      %parallel_loop3A_280 = arith.index_cast %parallel_loop3A_277 : i32 to index
      %parallel_loop3A_281 = tpu.vector_load %arg11[%parallel_loop3A_280] {strides = array<i32>} : memref<8192xf32, #tpu.memory_space<vmem>>, vector<16xf32>,
      %parallel_loop3A_282 = tpu.vector_load_idx %arg7[%parallel_loop3A_279] : memref<4096xf32, #tpu.memory_space<vmem>>[vector<16xi32>], vector<16xf32>,
      %parallel_loop3A_283 = arith.constant 1024 : i32
      %parallel_loop3A_284 = vector.broadcast %parallel_loop3A_283 : i32 to vector<16xi32>
      %parallel_loop3A_285 = arith.addi %parallel_loop3A_279, %parallel_loop3A_284 : vector<16xi32>
      %parallel_loop3A_286 = tpu.vector_load_idx %arg7[%parallel_loop3A_285] : memref<4096xf32, #tpu.memory_space<vmem>>[vector<16xi32>], vector<16xf32>,
      %parallel_loop3A_287 = arith.constant 2048 : i32
      %parallel_loop3A_288 = vector.broadcast %parallel_loop3A_287 : i32 to vector<16xi32>
      %parallel_loop3A_289 = arith.addi %parallel_loop3A_279, %parallel_loop3A_288 : vector<16xi32>
      %parallel_loop3A_290 = tpu.vector_load_idx %arg7[%parallel_loop3A_289] : memref<4096xf32, #tpu.memory_space<vmem>>[vector<16xi32>], vector<16xf32>,
      %parallel_loop3A_291 = arith.constant 3072 : i32
      %parallel_loop3A_292 = vector.broadcast %parallel_loop3A_291 : i32 to vector<16xi32>
      %parallel_loop3A_293 = arith.addi %parallel_loop3A_279, %parallel_loop3A_292 : vector<16xi32>
      %parallel_loop3A_294 = tpu.vector_load_idx %arg7[%parallel_loop3A_293] : memref<4096xf32, #tpu.memory_space<vmem>>[vector<16xi32>], vector<16xf32>,
      %parallel_loop3A_295 = arith.mulf %parallel_loop3A_282, %parallel_loop3A_281 : vector<16xf32>
      %parallel_loop3A_296 = arith.addf %parallel_loop3A_295, %parallel_loop3A_286 : vector<16xf32>
      %parallel_loop3A_297 = arith.index_cast %parallel_loop3A_277 : i32 to index
      %parallel_loop3A_298 = tpu.vector_load %arg13[%parallel_loop3A_297] {strides = array<i32>} : memref<8192xf32, #tpu.memory_space<vmem>>, vector<16xf32>,
      tpu.vector_store %arg13[%parallel_loop3A_297], %parallel_loop3A_296 {strides = array<i32>} : memref<8192xf32, #tpu.memory_space<vmem>>, vector<16xf32>,
      %parallel_loop3A_299 = arith.mulf %parallel_loop3A_290, %parallel_loop3A_296 : vector<16xf32>
      %parallel_loop3A_300 = arith.addf %parallel_loop3A_299, %parallel_loop3A_294 : vector<16xf32>
      %parallel_loop3A_301 = arith.index_cast %parallel_loop3A_277 : i32 to index
      %parallel_loop3A_302 = tpu.vector_load %arg15[%parallel_loop3A_301] {strides = array<i32>} : memref<8192xf32, #tpu.memory_space<vmem>>, vector<16xf32>,
      tpu.vector_store %arg15[%parallel_loop3A_301], %parallel_loop3A_300 {strides = array<i32>} : memref<8192xf32, #tpu.memory_space<vmem>>, vector<16xf32>,
    } {sc.loop_unroll_factor = 4 : i64, sc.parallel_access}
    %add3A_86 = arith.constant 4096 : i32
    %add3A_87 = arith.addi %mul3A_2, %add3A_86 : i32
    %dma_start3A_88 = arith.constant 0 : i32
    %dma_start3A_89 = tpu.memref_slice %arg13[%dma_start3A_88] : memref<8192xf32, #tpu.memory_space<vmem>> -> memref<8192xf32, #tpu.memory_space<vmem>>
    %dma_start3A_90 = tpu.memref_slice %arg5[%add3A_87] : memref<1048576xf32, #tpu.memory_space<hbm>> -> memref<8192xf32, #tpu.memory_space<hbm>>
    %dma_start3A_91 = tpu.memref_slice %arg5[%add3A_87] : memref<1048576xf32, #tpu.memory_space<hbm>> -> memref<8192xf32, #tpu.memory_space<hbm>>
    %dma_start3A_92 = arith.constant 0 : i32
    %dma_start3A_93 = tpu.memref_slice %arg13[%dma_start3A_92] : memref<8192xf32, #tpu.memory_space<vmem>> -> memref<8192xf32, #tpu.memory_space<vmem>>
    tpu.enqueue_dma source(%dma_start3A_93 : memref<8192xf32, #tpu.memory_space<vmem>>) target(%dma_start3A_91 : memref<8192xf32, #tpu.memory_space<hbm>>) target_semaphore(%arg19 : memref<!tpu.dma_semaphore, #tpu.memory_space<semaphore_mem>>)
    %dma_start3A_94 = arith.constant 0 : i32
    %dma_start3A_95 = tpu.memref_slice %arg15[%dma_start3A_94] : memref<8192xf32, #tpu.memory_space<vmem>> -> memref<8192xf32, #tpu.memory_space<vmem>>
    %dma_start3A_96 = tpu.memref_slice %arg6[%add3A_87] : memref<1048576xf32, #tpu.memory_space<hbm>> -> memref<8192xf32, #tpu.memory_space<hbm>>
    %dma_start3A_97 = tpu.memref_slice %arg6[%add3A_87] : memref<1048576xf32, #tpu.memory_space<hbm>> -> memref<8192xf32, #tpu.memory_space<hbm>>
    %dma_start3A_98 = arith.constant 0 : i32
    %dma_start3A_99 = tpu.memref_slice %arg15[%dma_start3A_98] : memref<8192xf32, #tpu.memory_space<vmem>> -> memref<8192xf32, #tpu.memory_space<vmem>>
    tpu.enqueue_dma source(%dma_start3A_99 : memref<8192xf32, #tpu.memory_space<vmem>>) target(%dma_start3A_97 : memref<8192xf32, #tpu.memory_space<hbm>>) target_semaphore(%arg19 : memref<!tpu.dma_semaphore, #tpu.memory_space<semaphore_mem>>)
    %add3A_100 = arith.constant 20480 : i32
    %add3A_101 = arith.addi %mul3A_2, %add3A_100 : i32
    %dma_start3A_102 = arith.constant 0 : i32
    %dma_start3A_103 = tpu.memref_slice %arg9[%dma_start3A_102] : memref<8192xi32, #tpu.memory_space<vmem>> -> memref<8192xi32, #tpu.memory_space<vmem>>
    %dma_start3A_104 = tpu.memref_slice %arg3[%add3A_101] : memref<1048576xi32, #tpu.memory_space<hbm>> -> memref<8192xi32, #tpu.memory_space<hbm>>
    %dma_start3A_105 = arith.constant 0 : i32
    %dma_start3A_106 = tpu.memref_slice %arg9[%dma_start3A_105] : memref<8192xi32, #tpu.memory_space<vmem>> -> memref<8192xi32, #tpu.memory_space<vmem>>
    %dma_start3A_107 = tpu.memref_slice %arg3[%add3A_101] : memref<1048576xi32, #tpu.memory_space<hbm>> -> memref<8192xi32, #tpu.memory_space<hbm>>
    tpu.enqueue_dma source(%dma_start3A_107 : memref<8192xi32, #tpu.memory_space<hbm>>) target(%dma_start3A_106 : memref<8192xi32, #tpu.memory_space<vmem>>) target_semaphore(%arg17 : memref<!tpu.dma_semaphore, #tpu.memory_space<semaphore_mem>>)
    %dma_start3A_108 = arith.constant 0 : i32
    %dma_start3A_109 = tpu.memref_slice %arg11[%dma_start3A_108] : memref<8192xf32, #tpu.memory_space<vmem>> -> memref<8192xf32, #tpu.memory_space<vmem>>
    %dma_start3A_110 = tpu.memref_slice %arg2[%add3A_101] : memref<1048576xf32, #tpu.memory_space<hbm>> -> memref<8192xf32, #tpu.memory_space<hbm>>
    %dma_start3A_111 = arith.constant 0 : i32
    %dma_start3A_112 = tpu.memref_slice %arg11[%dma_start3A_111] : memref<8192xf32, #tpu.memory_space<vmem>> -> memref<8192xf32, #tpu.memory_space<vmem>>
    %dma_start3A_113 = tpu.memref_slice %arg2[%add3A_101] : memref<1048576xf32, #tpu.memory_space<hbm>> -> memref<8192xf32, #tpu.memory_space<hbm>>
    tpu.enqueue_dma source(%dma_start3A_113 : memref<8192xf32, #tpu.memory_space<hbm>>) target(%dma_start3A_112 : memref<8192xf32, #tpu.memory_space<vmem>>) target_semaphore(%arg17 : memref<!tpu.dma_semaphore, #tpu.memory_space<semaphore_mem>>)
    %dma_wait3A_114 = arith.constant 0 : i32
    %dma_wait3A_115 = tpu.memref_slice %arg8[%dma_wait3A_114] : memref<8192xi32, #tpu.memory_space<vmem>> -> memref<8192xi32, #tpu.memory_space<vmem>>
    %dma_wait3A_116 = tpu.memref_slice %arg3[%add3A_58] : memref<1048576xi32, #tpu.memory_space<hbm>> -> memref<8192xi32, #tpu.memory_space<hbm>>
    %dma_wait3A_117 = arith.constant 0 : i32
    %dma_wait3A_118 = tpu.memref_slice %arg8[%dma_wait3A_117] : memref<8192xi32, #tpu.memory_space<vmem>> -> memref<8192xi32, #tpu.memory_space<vmem>>
    %dma_wait3A_119 = tpu.memref_slice %arg3[%add3A_58] : memref<1048576xi32, #tpu.memory_space<hbm>> -> memref<8192xi32, #tpu.memory_space<hbm>>
    tpu.wait_dma2 semaphore(%arg16 : memref<!tpu.dma_semaphore, #tpu.memory_space<semaphore_mem>>) src(%dma_wait3A_119 : memref<8192xi32, #tpu.memory_space<hbm>>) dst(%dma_wait3A_118 : memref<8192xi32, #tpu.memory_space<vmem>>)
    %dma_wait3A_120 = arith.constant 0 : i32
    %dma_wait3A_121 = tpu.memref_slice %arg10[%dma_wait3A_120] : memref<8192xf32, #tpu.memory_space<vmem>> -> memref<8192xf32, #tpu.memory_space<vmem>>
    %dma_wait3A_122 = tpu.memref_slice %arg2[%add3A_58] : memref<1048576xf32, #tpu.memory_space<hbm>> -> memref<8192xf32, #tpu.memory_space<hbm>>
    %dma_wait3A_123 = arith.constant 0 : i32
    %dma_wait3A_124 = tpu.memref_slice %arg10[%dma_wait3A_123] : memref<8192xf32, #tpu.memory_space<vmem>> -> memref<8192xf32, #tpu.memory_space<vmem>>
    %dma_wait3A_125 = tpu.memref_slice %arg2[%add3A_58] : memref<1048576xf32, #tpu.memory_space<hbm>> -> memref<8192xf32, #tpu.memory_space<hbm>>
    tpu.wait_dma2 semaphore(%arg16 : memref<!tpu.dma_semaphore, #tpu.memory_space<semaphore_mem>>) src(%dma_wait3A_125 : memref<8192xf32, #tpu.memory_space<hbm>>) dst(%dma_wait3A_124 : memref<8192xf32, #tpu.memory_space<vmem>>)
    %dma_wait3A_126 = arith.constant 0 : i32
    %dma_wait3A_127 = tpu.memref_slice %arg12[%dma_wait3A_126] : memref<8192xf32, #tpu.memory_space<vmem>> -> memref<4096xf32, #tpu.memory_space<vmem>>
    %dma_wait3A_128 = tpu.memref_slice %arg5[%add3A_44] : memref<1048576xf32, #tpu.memory_space<hbm>> -> memref<4096xf32, #tpu.memory_space<hbm>>
    %dma_wait3A_129 = tpu.memref_slice %arg5[%add3A_44] : memref<1048576xf32, #tpu.memory_space<hbm>> -> memref<4096xf32, #tpu.memory_space<hbm>>
    %dma_wait3A_130 = arith.constant 0 : i32
    %dma_wait3A_131 = tpu.memref_slice %arg12[%dma_wait3A_130] : memref<8192xf32, #tpu.memory_space<vmem>> -> memref<4096xf32, #tpu.memory_space<vmem>>
    tpu.wait_dma2 semaphore(%arg18 : memref<!tpu.dma_semaphore, #tpu.memory_space<semaphore_mem>>) src(%dma_wait3A_131 : memref<4096xf32, #tpu.memory_space<vmem>>) dst(%dma_wait3A_129 : memref<4096xf32, #tpu.memory_space<hbm>>)
    %dma_wait3A_132 = arith.constant 0 : i32
    %dma_wait3A_133 = tpu.memref_slice %arg14[%dma_wait3A_132] : memref<8192xf32, #tpu.memory_space<vmem>> -> memref<4096xf32, #tpu.memory_space<vmem>>
    %dma_wait3A_134 = tpu.memref_slice %arg6[%add3A_44] : memref<1048576xf32, #tpu.memory_space<hbm>> -> memref<4096xf32, #tpu.memory_space<hbm>>
    %dma_wait3A_135 = tpu.memref_slice %arg6[%add3A_44] : memref<1048576xf32, #tpu.memory_space<hbm>> -> memref<4096xf32, #tpu.memory_space<hbm>>
    %dma_wait3A_136 = arith.constant 0 : i32
    %dma_wait3A_137 = tpu.memref_slice %arg14[%dma_wait3A_136] : memref<8192xf32, #tpu.memory_space<vmem>> -> memref<4096xf32, #tpu.memory_space<vmem>>
    tpu.wait_dma2 semaphore(%arg18 : memref<!tpu.dma_semaphore, #tpu.memory_space<semaphore_mem>>) src(%dma_wait3A_137 : memref<4096xf32, #tpu.memory_space<vmem>>) dst(%dma_wait3A_135 : memref<4096xf32, #tpu.memory_space<hbm>>)
    %parallel_loop3A_138 = arith.constant 0 : i32
    %parallel_loop3A_139 = arith.constant 512 : i32
    %parallel_loop3A_140 = arith.constant 1 : i32
    scf.for %parallel_loop3A_275 = %parallel_loop3A_138 to %parallel_loop3A_139 step %parallel_loop3A_140  : i32 {
      %parallel_loop3A_276 = arith.constant 16 : i32
      %parallel_loop3A_277 = arith.muli %parallel_loop3A_275, %parallel_loop3A_276 : i32
      %parallel_loop3A_278 = arith.index_cast %parallel_loop3A_277 : i32 to index
      %parallel_loop3A_279 = tpu.vector_load %arg8[%parallel_loop3A_278] {strides = array<i32>} : memref<8192xi32, #tpu.memory_space<vmem>>, vector<16xi32>,
      %parallel_loop3A_280 = arith.index_cast %parallel_loop3A_277 : i32 to index
      %parallel_loop3A_281 = tpu.vector_load %arg10[%parallel_loop3A_280] {strides = array<i32>} : memref<8192xf32, #tpu.memory_space<vmem>>, vector<16xf32>,
      %parallel_loop3A_282 = tpu.vector_load_idx %arg7[%parallel_loop3A_279] : memref<4096xf32, #tpu.memory_space<vmem>>[vector<16xi32>], vector<16xf32>,
      %parallel_loop3A_283 = arith.constant 1024 : i32
      %parallel_loop3A_284 = vector.broadcast %parallel_loop3A_283 : i32 to vector<16xi32>
      %parallel_loop3A_285 = arith.addi %parallel_loop3A_279, %parallel_loop3A_284 : vector<16xi32>
      %parallel_loop3A_286 = tpu.vector_load_idx %arg7[%parallel_loop3A_285] : memref<4096xf32, #tpu.memory_space<vmem>>[vector<16xi32>], vector<16xf32>,
      %parallel_loop3A_287 = arith.constant 2048 : i32
      %parallel_loop3A_288 = vector.broadcast %parallel_loop3A_287 : i32 to vector<16xi32>
      %parallel_loop3A_289 = arith.addi %parallel_loop3A_279, %parallel_loop3A_288 : vector<16xi32>
      %parallel_loop3A_290 = tpu.vector_load_idx %arg7[%parallel_loop3A_289] : memref<4096xf32, #tpu.memory_space<vmem>>[vector<16xi32>], vector<16xf32>,
      %parallel_loop3A_291 = arith.constant 3072 : i32
      %parallel_loop3A_292 = vector.broadcast %parallel_loop3A_291 : i32 to vector<16xi32>
      %parallel_loop3A_293 = arith.addi %parallel_loop3A_279, %parallel_loop3A_292 : vector<16xi32>
      %parallel_loop3A_294 = tpu.vector_load_idx %arg7[%parallel_loop3A_293] : memref<4096xf32, #tpu.memory_space<vmem>>[vector<16xi32>], vector<16xf32>,
      %parallel_loop3A_295 = arith.mulf %parallel_loop3A_282, %parallel_loop3A_281 : vector<16xf32>
      %parallel_loop3A_296 = arith.addf %parallel_loop3A_295, %parallel_loop3A_286 : vector<16xf32>
      %parallel_loop3A_297 = arith.index_cast %parallel_loop3A_277 : i32 to index
      %parallel_loop3A_298 = tpu.vector_load %arg12[%parallel_loop3A_297] {strides = array<i32>} : memref<8192xf32, #tpu.memory_space<vmem>>, vector<16xf32>,
      tpu.vector_store %arg12[%parallel_loop3A_297], %parallel_loop3A_296 {strides = array<i32>} : memref<8192xf32, #tpu.memory_space<vmem>>, vector<16xf32>,
      %parallel_loop3A_299 = arith.mulf %parallel_loop3A_290, %parallel_loop3A_296 : vector<16xf32>
      %parallel_loop3A_300 = arith.addf %parallel_loop3A_299, %parallel_loop3A_294 : vector<16xf32>
      %parallel_loop3A_301 = arith.index_cast %parallel_loop3A_277 : i32 to index
      %parallel_loop3A_302 = tpu.vector_load %arg14[%parallel_loop3A_301] {strides = array<i32>} : memref<8192xf32, #tpu.memory_space<vmem>>, vector<16xf32>,
      tpu.vector_store %arg14[%parallel_loop3A_301], %parallel_loop3A_300 {strides = array<i32>} : memref<8192xf32, #tpu.memory_space<vmem>>, vector<16xf32>,
    } {sc.loop_unroll_factor = 4 : i64, sc.parallel_access}
    %add3A_141 = arith.constant 12288 : i32
    %add3A_142 = arith.addi %mul3A_2, %add3A_141 : i32
    %dma_start3A_143 = arith.constant 0 : i32
    %dma_start3A_144 = tpu.memref_slice %arg12[%dma_start3A_143] : memref<8192xf32, #tpu.memory_space<vmem>> -> memref<8192xf32, #tpu.memory_space<vmem>>
    %dma_start3A_145 = tpu.memref_slice %arg5[%add3A_142] : memref<1048576xf32, #tpu.memory_space<hbm>> -> memref<8192xf32, #tpu.memory_space<hbm>>
    %dma_start3A_146 = tpu.memref_slice %arg5[%add3A_142] : memref<1048576xf32, #tpu.memory_space<hbm>> -> memref<8192xf32, #tpu.memory_space<hbm>>
    %dma_start3A_147 = arith.constant 0 : i32
    %dma_start3A_148 = tpu.memref_slice %arg12[%dma_start3A_147] : memref<8192xf32, #tpu.memory_space<vmem>> -> memref<8192xf32, #tpu.memory_space<vmem>>
    tpu.enqueue_dma source(%dma_start3A_148 : memref<8192xf32, #tpu.memory_space<vmem>>) target(%dma_start3A_146 : memref<8192xf32, #tpu.memory_space<hbm>>) target_semaphore(%arg18 : memref<!tpu.dma_semaphore, #tpu.memory_space<semaphore_mem>>)
    %dma_start3A_149 = arith.constant 0 : i32
    %dma_start3A_150 = tpu.memref_slice %arg14[%dma_start3A_149] : memref<8192xf32, #tpu.memory_space<vmem>> -> memref<8192xf32, #tpu.memory_space<vmem>>
    %dma_start3A_151 = tpu.memref_slice %arg6[%add3A_142] : memref<1048576xf32, #tpu.memory_space<hbm>> -> memref<8192xf32, #tpu.memory_space<hbm>>
    %dma_start3A_152 = tpu.memref_slice %arg6[%add3A_142] : memref<1048576xf32, #tpu.memory_space<hbm>> -> memref<8192xf32, #tpu.memory_space<hbm>>
    %dma_start3A_153 = arith.constant 0 : i32
    %dma_start3A_154 = tpu.memref_slice %arg14[%dma_start3A_153] : memref<8192xf32, #tpu.memory_space<vmem>> -> memref<8192xf32, #tpu.memory_space<vmem>>
    tpu.enqueue_dma source(%dma_start3A_154 : memref<8192xf32, #tpu.memory_space<vmem>>) target(%dma_start3A_152 : memref<8192xf32, #tpu.memory_space<hbm>>) target_semaphore(%arg18 : memref<!tpu.dma_semaphore, #tpu.memory_space<semaphore_mem>>)
    %add3A_155 = arith.constant 28672 : i32
    %add3A_156 = arith.addi %mul3A_2, %add3A_155 : i32
    %dma_start3A_157 = arith.constant 0 : i32
    %dma_start3A_158 = tpu.memref_slice %arg8[%dma_start3A_157] : memref<8192xi32, #tpu.memory_space<vmem>> -> memref<4096xi32, #tpu.memory_space<vmem>>
    %dma_start3A_159 = tpu.memref_slice %arg3[%add3A_156] : memref<1048576xi32, #tpu.memory_space<hbm>> -> memref<4096xi32, #tpu.memory_space<hbm>>
    %dma_start3A_160 = arith.constant 0 : i32
    %dma_start3A_161 = tpu.memref_slice %arg8[%dma_start3A_160] : memref<8192xi32, #tpu.memory_space<vmem>> -> memref<4096xi32, #tpu.memory_space<vmem>>
    %dma_start3A_162 = tpu.memref_slice %arg3[%add3A_156] : memref<1048576xi32, #tpu.memory_space<hbm>> -> memref<4096xi32, #tpu.memory_space<hbm>>
    tpu.enqueue_dma source(%dma_start3A_162 : memref<4096xi32, #tpu.memory_space<hbm>>) target(%dma_start3A_161 : memref<4096xi32, #tpu.memory_space<vmem>>) target_semaphore(%arg16 : memref<!tpu.dma_semaphore, #tpu.memory_space<semaphore_mem>>)
    %dma_start3A_163 = arith.constant 0 : i32
    %dma_start3A_164 = tpu.memref_slice %arg10[%dma_start3A_163] : memref<8192xf32, #tpu.memory_space<vmem>> -> memref<4096xf32, #tpu.memory_space<vmem>>
    %dma_start3A_165 = tpu.memref_slice %arg2[%add3A_156] : memref<1048576xf32, #tpu.memory_space<hbm>> -> memref<4096xf32, #tpu.memory_space<hbm>>
    %dma_start3A_166 = arith.constant 0 : i32
    %dma_start3A_167 = tpu.memref_slice %arg10[%dma_start3A_166] : memref<8192xf32, #tpu.memory_space<vmem>> -> memref<4096xf32, #tpu.memory_space<vmem>>
    %dma_start3A_168 = tpu.memref_slice %arg2[%add3A_156] : memref<1048576xf32, #tpu.memory_space<hbm>> -> memref<4096xf32, #tpu.memory_space<hbm>>
    tpu.enqueue_dma source(%dma_start3A_168 : memref<4096xf32, #tpu.memory_space<hbm>>) target(%dma_start3A_167 : memref<4096xf32, #tpu.memory_space<vmem>>) target_semaphore(%arg16 : memref<!tpu.dma_semaphore, #tpu.memory_space<semaphore_mem>>)
    %dma_wait3A_169 = arith.constant 0 : i32
    %dma_wait3A_170 = tpu.memref_slice %arg9[%dma_wait3A_169] : memref<8192xi32, #tpu.memory_space<vmem>> -> memref<8192xi32, #tpu.memory_space<vmem>>
    %dma_wait3A_171 = tpu.memref_slice %arg3[%add3A_101] : memref<1048576xi32, #tpu.memory_space<hbm>> -> memref<8192xi32, #tpu.memory_space<hbm>>
    %dma_wait3A_172 = arith.constant 0 : i32
    %dma_wait3A_173 = tpu.memref_slice %arg9[%dma_wait3A_172] : memref<8192xi32, #tpu.memory_space<vmem>> -> memref<8192xi32, #tpu.memory_space<vmem>>
    %dma_wait3A_174 = tpu.memref_slice %arg3[%add3A_101] : memref<1048576xi32, #tpu.memory_space<hbm>> -> memref<8192xi32, #tpu.memory_space<hbm>>
    tpu.wait_dma2 semaphore(%arg17 : memref<!tpu.dma_semaphore, #tpu.memory_space<semaphore_mem>>) src(%dma_wait3A_174 : memref<8192xi32, #tpu.memory_space<hbm>>) dst(%dma_wait3A_173 : memref<8192xi32, #tpu.memory_space<vmem>>)
    %dma_wait3A_175 = arith.constant 0 : i32
    %dma_wait3A_176 = tpu.memref_slice %arg11[%dma_wait3A_175] : memref<8192xf32, #tpu.memory_space<vmem>> -> memref<8192xf32, #tpu.memory_space<vmem>>
    %dma_wait3A_177 = tpu.memref_slice %arg2[%add3A_101] : memref<1048576xf32, #tpu.memory_space<hbm>> -> memref<8192xf32, #tpu.memory_space<hbm>>
    %dma_wait3A_178 = arith.constant 0 : i32
    %dma_wait3A_179 = tpu.memref_slice %arg11[%dma_wait3A_178] : memref<8192xf32, #tpu.memory_space<vmem>> -> memref<8192xf32, #tpu.memory_space<vmem>>
    %dma_wait3A_180 = tpu.memref_slice %arg2[%add3A_101] : memref<1048576xf32, #tpu.memory_space<hbm>> -> memref<8192xf32, #tpu.memory_space<hbm>>
    tpu.wait_dma2 semaphore(%arg17 : memref<!tpu.dma_semaphore, #tpu.memory_space<semaphore_mem>>) src(%dma_wait3A_180 : memref<8192xf32, #tpu.memory_space<hbm>>) dst(%dma_wait3A_179 : memref<8192xf32, #tpu.memory_space<vmem>>)
    %dma_wait3A_181 = arith.constant 0 : i32
    %dma_wait3A_182 = tpu.memref_slice %arg13[%dma_wait3A_181] : memref<8192xf32, #tpu.memory_space<vmem>> -> memref<8192xf32, #tpu.memory_space<vmem>>
    %dma_wait3A_183 = tpu.memref_slice %arg5[%add3A_87] : memref<1048576xf32, #tpu.memory_space<hbm>> -> memref<8192xf32, #tpu.memory_space<hbm>>
    %dma_wait3A_184 = tpu.memref_slice %arg5[%add3A_87] : memref<1048576xf32, #tpu.memory_space<hbm>> -> memref<8192xf32, #tpu.memory_space<hbm>>
    %dma_wait3A_185 = arith.constant 0 : i32
    %dma_wait3A_186 = tpu.memref_slice %arg13[%dma_wait3A_185] : memref<8192xf32, #tpu.memory_space<vmem>> -> memref<8192xf32, #tpu.memory_space<vmem>>
    tpu.wait_dma2 semaphore(%arg19 : memref<!tpu.dma_semaphore, #tpu.memory_space<semaphore_mem>>) src(%dma_wait3A_186 : memref<8192xf32, #tpu.memory_space<vmem>>) dst(%dma_wait3A_184 : memref<8192xf32, #tpu.memory_space<hbm>>)
    %dma_wait3A_187 = arith.constant 0 : i32
    %dma_wait3A_188 = tpu.memref_slice %arg15[%dma_wait3A_187] : memref<8192xf32, #tpu.memory_space<vmem>> -> memref<8192xf32, #tpu.memory_space<vmem>>
    %dma_wait3A_189 = tpu.memref_slice %arg6[%add3A_87] : memref<1048576xf32, #tpu.memory_space<hbm>> -> memref<8192xf32, #tpu.memory_space<hbm>>
    %dma_wait3A_190 = tpu.memref_slice %arg6[%add3A_87] : memref<1048576xf32, #tpu.memory_space<hbm>> -> memref<8192xf32, #tpu.memory_space<hbm>>
    %dma_wait3A_191 = arith.constant 0 : i32
    %dma_wait3A_192 = tpu.memref_slice %arg15[%dma_wait3A_191] : memref<8192xf32, #tpu.memory_space<vmem>> -> memref<8192xf32, #tpu.memory_space<vmem>>
    tpu.wait_dma2 semaphore(%arg19 : memref<!tpu.dma_semaphore, #tpu.memory_space<semaphore_mem>>) src(%dma_wait3A_192 : memref<8192xf32, #tpu.memory_space<vmem>>) dst(%dma_wait3A_190 : memref<8192xf32, #tpu.memory_space<hbm>>)
    %parallel_loop3A_193 = arith.constant 0 : i32
    %parallel_loop3A_194 = arith.constant 512 : i32
    %parallel_loop3A_195 = arith.constant 1 : i32
    scf.for %parallel_loop3A_275 = %parallel_loop3A_193 to %parallel_loop3A_194 step %parallel_loop3A_195  : i32 {
      %parallel_loop3A_276 = arith.constant 16 : i32
      %parallel_loop3A_277 = arith.muli %parallel_loop3A_275, %parallel_loop3A_276 : i32
      %parallel_loop3A_278 = arith.index_cast %parallel_loop3A_277 : i32 to index
      %parallel_loop3A_279 = tpu.vector_load %arg9[%parallel_loop3A_278] {strides = array<i32>} : memref<8192xi32, #tpu.memory_space<vmem>>, vector<16xi32>,
      %parallel_loop3A_280 = arith.index_cast %parallel_loop3A_277 : i32 to index
      %parallel_loop3A_281 = tpu.vector_load %arg11[%parallel_loop3A_280] {strides = array<i32>} : memref<8192xf32, #tpu.memory_space<vmem>>, vector<16xf32>,
      %parallel_loop3A_282 = tpu.vector_load_idx %arg7[%parallel_loop3A_279] : memref<4096xf32, #tpu.memory_space<vmem>>[vector<16xi32>], vector<16xf32>,
      %parallel_loop3A_283 = arith.constant 1024 : i32
      %parallel_loop3A_284 = vector.broadcast %parallel_loop3A_283 : i32 to vector<16xi32>
      %parallel_loop3A_285 = arith.addi %parallel_loop3A_279, %parallel_loop3A_284 : vector<16xi32>
      %parallel_loop3A_286 = tpu.vector_load_idx %arg7[%parallel_loop3A_285] : memref<4096xf32, #tpu.memory_space<vmem>>[vector<16xi32>], vector<16xf32>,
      %parallel_loop3A_287 = arith.constant 2048 : i32
      %parallel_loop3A_288 = vector.broadcast %parallel_loop3A_287 : i32 to vector<16xi32>
      %parallel_loop3A_289 = arith.addi %parallel_loop3A_279, %parallel_loop3A_288 : vector<16xi32>
      %parallel_loop3A_290 = tpu.vector_load_idx %arg7[%parallel_loop3A_289] : memref<4096xf32, #tpu.memory_space<vmem>>[vector<16xi32>], vector<16xf32>,
      %parallel_loop3A_291 = arith.constant 3072 : i32
      %parallel_loop3A_292 = vector.broadcast %parallel_loop3A_291 : i32 to vector<16xi32>
      %parallel_loop3A_293 = arith.addi %parallel_loop3A_279, %parallel_loop3A_292 : vector<16xi32>
      %parallel_loop3A_294 = tpu.vector_load_idx %arg7[%parallel_loop3A_293] : memref<4096xf32, #tpu.memory_space<vmem>>[vector<16xi32>], vector<16xf32>,
      %parallel_loop3A_295 = arith.mulf %parallel_loop3A_282, %parallel_loop3A_281 : vector<16xf32>
      %parallel_loop3A_296 = arith.addf %parallel_loop3A_295, %parallel_loop3A_286 : vector<16xf32>
      %parallel_loop3A_297 = arith.index_cast %parallel_loop3A_277 : i32 to index
      %parallel_loop3A_298 = tpu.vector_load %arg13[%parallel_loop3A_297] {strides = array<i32>} : memref<8192xf32, #tpu.memory_space<vmem>>, vector<16xf32>,
      tpu.vector_store %arg13[%parallel_loop3A_297], %parallel_loop3A_296 {strides = array<i32>} : memref<8192xf32, #tpu.memory_space<vmem>>, vector<16xf32>,
      %parallel_loop3A_299 = arith.mulf %parallel_loop3A_290, %parallel_loop3A_296 : vector<16xf32>
      %parallel_loop3A_300 = arith.addf %parallel_loop3A_299, %parallel_loop3A_294 : vector<16xf32>
      %parallel_loop3A_301 = arith.index_cast %parallel_loop3A_277 : i32 to index
      %parallel_loop3A_302 = tpu.vector_load %arg15[%parallel_loop3A_301] {strides = array<i32>} : memref<8192xf32, #tpu.memory_space<vmem>>, vector<16xf32>,
      tpu.vector_store %arg15[%parallel_loop3A_301], %parallel_loop3A_300 {strides = array<i32>} : memref<8192xf32, #tpu.memory_space<vmem>>, vector<16xf32>,
    } {sc.loop_unroll_factor = 4 : i64, sc.parallel_access}
    %add3A_196 = arith.constant 20480 : i32
    %add3A_197 = arith.addi %mul3A_2, %add3A_196 : i32
    %dma_start3A_198 = arith.constant 0 : i32
    %dma_start3A_199 = tpu.memref_slice %arg13[%dma_start3A_198] : memref<8192xf32, #tpu.memory_space<vmem>> -> memref<8192xf32, #tpu.memory_space<vmem>>
    %dma_start3A_200 = tpu.memref_slice %arg5[%add3A_197] : memref<1048576xf32, #tpu.memory_space<hbm>> -> memref<8192xf32, #tpu.memory_space<hbm>>
    %dma_start3A_201 = tpu.memref_slice %arg5[%add3A_197] : memref<1048576xf32, #tpu.memory_space<hbm>> -> memref<8192xf32, #tpu.memory_space<hbm>>
    %dma_start3A_202 = arith.constant 0 : i32
    %dma_start3A_203 = tpu.memref_slice %arg13[%dma_start3A_202] : memref<8192xf32, #tpu.memory_space<vmem>> -> memref<8192xf32, #tpu.memory_space<vmem>>
    tpu.enqueue_dma source(%dma_start3A_203 : memref<8192xf32, #tpu.memory_space<vmem>>) target(%dma_start3A_201 : memref<8192xf32, #tpu.memory_space<hbm>>) target_semaphore(%arg19 : memref<!tpu.dma_semaphore, #tpu.memory_space<semaphore_mem>>)
    %dma_start3A_204 = arith.constant 0 : i32
    %dma_start3A_205 = tpu.memref_slice %arg15[%dma_start3A_204] : memref<8192xf32, #tpu.memory_space<vmem>> -> memref<8192xf32, #tpu.memory_space<vmem>>
    %dma_start3A_206 = tpu.memref_slice %arg6[%add3A_197] : memref<1048576xf32, #tpu.memory_space<hbm>> -> memref<8192xf32, #tpu.memory_space<hbm>>
    %dma_start3A_207 = tpu.memref_slice %arg6[%add3A_197] : memref<1048576xf32, #tpu.memory_space<hbm>> -> memref<8192xf32, #tpu.memory_space<hbm>>
    %dma_start3A_208 = arith.constant 0 : i32
    %dma_start3A_209 = tpu.memref_slice %arg15[%dma_start3A_208] : memref<8192xf32, #tpu.memory_space<vmem>> -> memref<8192xf32, #tpu.memory_space<vmem>>
    tpu.enqueue_dma source(%dma_start3A_209 : memref<8192xf32, #tpu.memory_space<vmem>>) target(%dma_start3A_207 : memref<8192xf32, #tpu.memory_space<hbm>>) target_semaphore(%arg19 : memref<!tpu.dma_semaphore, #tpu.memory_space<semaphore_mem>>)
    %dma_wait3A_210 = arith.constant 0 : i32
    %dma_wait3A_211 = tpu.memref_slice %arg8[%dma_wait3A_210] : memref<8192xi32, #tpu.memory_space<vmem>> -> memref<4096xi32, #tpu.memory_space<vmem>>
    %dma_wait3A_212 = tpu.memref_slice %arg3[%add3A_156] : memref<1048576xi32, #tpu.memory_space<hbm>> -> memref<4096xi32, #tpu.memory_space<hbm>>
    %dma_wait3A_213 = arith.constant 0 : i32
    %dma_wait3A_214 = tpu.memref_slice %arg8[%dma_wait3A_213] : memref<8192xi32, #tpu.memory_space<vmem>> -> memref<4096xi32, #tpu.memory_space<vmem>>
    %dma_wait3A_215 = tpu.memref_slice %arg3[%add3A_156] : memref<1048576xi32, #tpu.memory_space<hbm>> -> memref<4096xi32, #tpu.memory_space<hbm>>
    tpu.wait_dma2 semaphore(%arg16 : memref<!tpu.dma_semaphore, #tpu.memory_space<semaphore_mem>>) src(%dma_wait3A_215 : memref<4096xi32, #tpu.memory_space<hbm>>) dst(%dma_wait3A_214 : memref<4096xi32, #tpu.memory_space<vmem>>)
    %dma_wait3A_216 = arith.constant 0 : i32
    %dma_wait3A_217 = tpu.memref_slice %arg10[%dma_wait3A_216] : memref<8192xf32, #tpu.memory_space<vmem>> -> memref<4096xf32, #tpu.memory_space<vmem>>
    %dma_wait3A_218 = tpu.memref_slice %arg2[%add3A_156] : memref<1048576xf32, #tpu.memory_space<hbm>> -> memref<4096xf32, #tpu.memory_space<hbm>>
    %dma_wait3A_219 = arith.constant 0 : i32
    %dma_wait3A_220 = tpu.memref_slice %arg10[%dma_wait3A_219] : memref<8192xf32, #tpu.memory_space<vmem>> -> memref<4096xf32, #tpu.memory_space<vmem>>
    %dma_wait3A_221 = tpu.memref_slice %arg2[%add3A_156] : memref<1048576xf32, #tpu.memory_space<hbm>> -> memref<4096xf32, #tpu.memory_space<hbm>>
    tpu.wait_dma2 semaphore(%arg16 : memref<!tpu.dma_semaphore, #tpu.memory_space<semaphore_mem>>) src(%dma_wait3A_221 : memref<4096xf32, #tpu.memory_space<hbm>>) dst(%dma_wait3A_220 : memref<4096xf32, #tpu.memory_space<vmem>>)
    %dma_wait3A_222 = arith.constant 0 : i32
    %dma_wait3A_223 = tpu.memref_slice %arg12[%dma_wait3A_222] : memref<8192xf32, #tpu.memory_space<vmem>> -> memref<8192xf32, #tpu.memory_space<vmem>>
    %dma_wait3A_224 = tpu.memref_slice %arg5[%add3A_142] : memref<1048576xf32, #tpu.memory_space<hbm>> -> memref<8192xf32, #tpu.memory_space<hbm>>
    %dma_wait3A_225 = tpu.memref_slice %arg5[%add3A_142] : memref<1048576xf32, #tpu.memory_space<hbm>> -> memref<8192xf32, #tpu.memory_space<hbm>>
    %dma_wait3A_226 = arith.constant 0 : i32
    %dma_wait3A_227 = tpu.memref_slice %arg12[%dma_wait3A_226] : memref<8192xf32, #tpu.memory_space<vmem>> -> memref<8192xf32, #tpu.memory_space<vmem>>
    tpu.wait_dma2 semaphore(%arg18 : memref<!tpu.dma_semaphore, #tpu.memory_space<semaphore_mem>>) src(%dma_wait3A_227 : memref<8192xf32, #tpu.memory_space<vmem>>) dst(%dma_wait3A_225 : memref<8192xf32, #tpu.memory_space<hbm>>)
    %dma_wait3A_228 = arith.constant 0 : i32
    %dma_wait3A_229 = tpu.memref_slice %arg14[%dma_wait3A_228] : memref<8192xf32, #tpu.memory_space<vmem>> -> memref<8192xf32, #tpu.memory_space<vmem>>
    %dma_wait3A_230 = tpu.memref_slice %arg6[%add3A_142] : memref<1048576xf32, #tpu.memory_space<hbm>> -> memref<8192xf32, #tpu.memory_space<hbm>>
    %dma_wait3A_231 = tpu.memref_slice %arg6[%add3A_142] : memref<1048576xf32, #tpu.memory_space<hbm>> -> memref<8192xf32, #tpu.memory_space<hbm>>
    %dma_wait3A_232 = arith.constant 0 : i32
    %dma_wait3A_233 = tpu.memref_slice %arg14[%dma_wait3A_232] : memref<8192xf32, #tpu.memory_space<vmem>> -> memref<8192xf32, #tpu.memory_space<vmem>>
    tpu.wait_dma2 semaphore(%arg18 : memref<!tpu.dma_semaphore, #tpu.memory_space<semaphore_mem>>) src(%dma_wait3A_233 : memref<8192xf32, #tpu.memory_space<vmem>>) dst(%dma_wait3A_231 : memref<8192xf32, #tpu.memory_space<hbm>>)
    %parallel_loop3A_234 = arith.constant 0 : i32
    %parallel_loop3A_235 = arith.constant 256 : i32
    %parallel_loop3A_236 = arith.constant 1 : i32
    scf.for %parallel_loop3A_275 = %parallel_loop3A_234 to %parallel_loop3A_235 step %parallel_loop3A_236  : i32 {
      %parallel_loop3A_276 = arith.constant 16 : i32
      %parallel_loop3A_277 = arith.muli %parallel_loop3A_275, %parallel_loop3A_276 : i32
      %parallel_loop3A_278 = arith.index_cast %parallel_loop3A_277 : i32 to index
      %parallel_loop3A_279 = tpu.vector_load %arg8[%parallel_loop3A_278] {strides = array<i32>} : memref<8192xi32, #tpu.memory_space<vmem>>, vector<16xi32>,
      %parallel_loop3A_280 = arith.index_cast %parallel_loop3A_277 : i32 to index
      %parallel_loop3A_281 = tpu.vector_load %arg10[%parallel_loop3A_280] {strides = array<i32>} : memref<8192xf32, #tpu.memory_space<vmem>>, vector<16xf32>,
      %parallel_loop3A_282 = tpu.vector_load_idx %arg7[%parallel_loop3A_279] : memref<4096xf32, #tpu.memory_space<vmem>>[vector<16xi32>], vector<16xf32>,
      %parallel_loop3A_283 = arith.constant 1024 : i32
      %parallel_loop3A_284 = vector.broadcast %parallel_loop3A_283 : i32 to vector<16xi32>
      %parallel_loop3A_285 = arith.addi %parallel_loop3A_279, %parallel_loop3A_284 : vector<16xi32>
      %parallel_loop3A_286 = tpu.vector_load_idx %arg7[%parallel_loop3A_285] : memref<4096xf32, #tpu.memory_space<vmem>>[vector<16xi32>], vector<16xf32>,
      %parallel_loop3A_287 = arith.constant 2048 : i32
      %parallel_loop3A_288 = vector.broadcast %parallel_loop3A_287 : i32 to vector<16xi32>
      %parallel_loop3A_289 = arith.addi %parallel_loop3A_279, %parallel_loop3A_288 : vector<16xi32>
      %parallel_loop3A_290 = tpu.vector_load_idx %arg7[%parallel_loop3A_289] : memref<4096xf32, #tpu.memory_space<vmem>>[vector<16xi32>], vector<16xf32>,
      %parallel_loop3A_291 = arith.constant 3072 : i32
      %parallel_loop3A_292 = vector.broadcast %parallel_loop3A_291 : i32 to vector<16xi32>
      %parallel_loop3A_293 = arith.addi %parallel_loop3A_279, %parallel_loop3A_292 : vector<16xi32>
      %parallel_loop3A_294 = tpu.vector_load_idx %arg7[%parallel_loop3A_293] : memref<4096xf32, #tpu.memory_space<vmem>>[vector<16xi32>], vector<16xf32>,
      %parallel_loop3A_295 = arith.mulf %parallel_loop3A_282, %parallel_loop3A_281 : vector<16xf32>
      %parallel_loop3A_296 = arith.addf %parallel_loop3A_295, %parallel_loop3A_286 : vector<16xf32>
      %parallel_loop3A_297 = arith.index_cast %parallel_loop3A_277 : i32 to index
      %parallel_loop3A_298 = tpu.vector_load %arg12[%parallel_loop3A_297] {strides = array<i32>} : memref<8192xf32, #tpu.memory_space<vmem>>, vector<16xf32>,
      tpu.vector_store %arg12[%parallel_loop3A_297], %parallel_loop3A_296 {strides = array<i32>} : memref<8192xf32, #tpu.memory_space<vmem>>, vector<16xf32>,
      %parallel_loop3A_299 = arith.mulf %parallel_loop3A_290, %parallel_loop3A_296 : vector<16xf32>
      %parallel_loop3A_300 = arith.addf %parallel_loop3A_299, %parallel_loop3A_294 : vector<16xf32>
      %parallel_loop3A_301 = arith.index_cast %parallel_loop3A_277 : i32 to index
      %parallel_loop3A_302 = tpu.vector_load %arg14[%parallel_loop3A_301] {strides = array<i32>} : memref<8192xf32, #tpu.memory_space<vmem>>, vector<16xf32>,
      tpu.vector_store %arg14[%parallel_loop3A_301], %parallel_loop3A_300 {strides = array<i32>} : memref<8192xf32, #tpu.memory_space<vmem>>, vector<16xf32>,
    } {sc.loop_unroll_factor = 4 : i64, sc.parallel_access}
    %add3A_237 = arith.constant 28672 : i32
    %add3A_238 = arith.addi %mul3A_2, %add3A_237 : i32
    %dma_start3A_239 = arith.constant 0 : i32
    %dma_start3A_240 = tpu.memref_slice %arg12[%dma_start3A_239] : memref<8192xf32, #tpu.memory_space<vmem>> -> memref<4096xf32, #tpu.memory_space<vmem>>
    %dma_start3A_241 = tpu.memref_slice %arg5[%add3A_238] : memref<1048576xf32, #tpu.memory_space<hbm>> -> memref<4096xf32, #tpu.memory_space<hbm>>
    %dma_start3A_242 = tpu.memref_slice %arg5[%add3A_238] : memref<1048576xf32, #tpu.memory_space<hbm>> -> memref<4096xf32, #tpu.memory_space<hbm>>
    %dma_start3A_243 = arith.constant 0 : i32
    %dma_start3A_244 = tpu.memref_slice %arg12[%dma_start3A_243] : memref<8192xf32, #tpu.memory_space<vmem>> -> memref<4096xf32, #tpu.memory_space<vmem>>
    tpu.enqueue_dma source(%dma_start3A_244 : memref<4096xf32, #tpu.memory_space<vmem>>) target(%dma_start3A_242 : memref<4096xf32, #tpu.memory_space<hbm>>) target_semaphore(%arg18 : memref<!tpu.dma_semaphore, #tpu.memory_space<semaphore_mem>>)
    %dma_start3A_245 = arith.constant 0 : i32
    %dma_start3A_246 = tpu.memref_slice %arg14[%dma_start3A_245] : memref<8192xf32, #tpu.memory_space<vmem>> -> memref<4096xf32, #tpu.memory_space<vmem>>
    %dma_start3A_247 = tpu.memref_slice %arg6[%add3A_238] : memref<1048576xf32, #tpu.memory_space<hbm>> -> memref<4096xf32, #tpu.memory_space<hbm>>
    %dma_start3A_248 = tpu.memref_slice %arg6[%add3A_238] : memref<1048576xf32, #tpu.memory_space<hbm>> -> memref<4096xf32, #tpu.memory_space<hbm>>
    %dma_start3A_249 = arith.constant 0 : i32
    %dma_start3A_250 = tpu.memref_slice %arg14[%dma_start3A_249] : memref<8192xf32, #tpu.memory_space<vmem>> -> memref<4096xf32, #tpu.memory_space<vmem>>
    tpu.enqueue_dma source(%dma_start3A_250 : memref<4096xf32, #tpu.memory_space<vmem>>) target(%dma_start3A_248 : memref<4096xf32, #tpu.memory_space<hbm>>) target_semaphore(%arg18 : memref<!tpu.dma_semaphore, #tpu.memory_space<semaphore_mem>>)
    %dma_wait3A_251 = arith.constant 0 : i32
    %dma_wait3A_252 = tpu.memref_slice %arg13[%dma_wait3A_251] : memref<8192xf32, #tpu.memory_space<vmem>> -> memref<8192xf32, #tpu.memory_space<vmem>>
    %dma_wait3A_253 = tpu.memref_slice %arg5[%add3A_197] : memref<1048576xf32, #tpu.memory_space<hbm>> -> memref<8192xf32, #tpu.memory_space<hbm>>
    %dma_wait3A_254 = tpu.memref_slice %arg5[%add3A_197] : memref<1048576xf32, #tpu.memory_space<hbm>> -> memref<8192xf32, #tpu.memory_space<hbm>>
    %dma_wait3A_255 = arith.constant 0 : i32
    %dma_wait3A_256 = tpu.memref_slice %arg13[%dma_wait3A_255] : memref<8192xf32, #tpu.memory_space<vmem>> -> memref<8192xf32, #tpu.memory_space<vmem>>
    tpu.wait_dma2 semaphore(%arg19 : memref<!tpu.dma_semaphore, #tpu.memory_space<semaphore_mem>>) src(%dma_wait3A_256 : memref<8192xf32, #tpu.memory_space<vmem>>) dst(%dma_wait3A_254 : memref<8192xf32, #tpu.memory_space<hbm>>)
    %dma_wait3A_257 = arith.constant 0 : i32
    %dma_wait3A_258 = tpu.memref_slice %arg15[%dma_wait3A_257] : memref<8192xf32, #tpu.memory_space<vmem>> -> memref<8192xf32, #tpu.memory_space<vmem>>
    %dma_wait3A_259 = tpu.memref_slice %arg6[%add3A_197] : memref<1048576xf32, #tpu.memory_space<hbm>> -> memref<8192xf32, #tpu.memory_space<hbm>>
    %dma_wait3A_260 = tpu.memref_slice %arg6[%add3A_197] : memref<1048576xf32, #tpu.memory_space<hbm>> -> memref<8192xf32, #tpu.memory_space<hbm>>
    %dma_wait3A_261 = arith.constant 0 : i32
    %dma_wait3A_262 = tpu.memref_slice %arg15[%dma_wait3A_261] : memref<8192xf32, #tpu.memory_space<vmem>> -> memref<8192xf32, #tpu.memory_space<vmem>>
    tpu.wait_dma2 semaphore(%arg19 : memref<!tpu.dma_semaphore, #tpu.memory_space<semaphore_mem>>) src(%dma_wait3A_262 : memref<8192xf32, #tpu.memory_space<vmem>>) dst(%dma_wait3A_260 : memref<8192xf32, #tpu.memory_space<hbm>>)
    %dma_wait3A_263 = arith.constant 0 : i32
    %dma_wait3A_264 = tpu.memref_slice %arg12[%dma_wait3A_263] : memref<8192xf32, #tpu.memory_space<vmem>> -> memref<4096xf32, #tpu.memory_space<vmem>>
    %dma_wait3A_265 = tpu.memref_slice %arg5[%add3A_238] : memref<1048576xf32, #tpu.memory_space<hbm>> -> memref<4096xf32, #tpu.memory_space<hbm>>
    %dma_wait3A_266 = tpu.memref_slice %arg5[%add3A_238] : memref<1048576xf32, #tpu.memory_space<hbm>> -> memref<4096xf32, #tpu.memory_space<hbm>>
    %dma_wait3A_267 = arith.constant 0 : i32
    %dma_wait3A_268 = tpu.memref_slice %arg12[%dma_wait3A_267] : memref<8192xf32, #tpu.memory_space<vmem>> -> memref<4096xf32, #tpu.memory_space<vmem>>
    tpu.wait_dma2 semaphore(%arg18 : memref<!tpu.dma_semaphore, #tpu.memory_space<semaphore_mem>>) src(%dma_wait3A_268 : memref<4096xf32, #tpu.memory_space<vmem>>) dst(%dma_wait3A_266 : memref<4096xf32, #tpu.memory_space<hbm>>)
    %dma_wait3A_269 = arith.constant 0 : i32
    %dma_wait3A_270 = tpu.memref_slice %arg14[%dma_wait3A_269] : memref<8192xf32, #tpu.memory_space<vmem>> -> memref<4096xf32, #tpu.memory_space<vmem>>
    %dma_wait3A_271 = tpu.memref_slice %arg6[%add3A_238] : memref<1048576xf32, #tpu.memory_space<hbm>> -> memref<4096xf32, #tpu.memory_space<hbm>>
    %dma_wait3A_272 = tpu.memref_slice %arg6[%add3A_238] : memref<1048576xf32, #tpu.memory_space<hbm>> -> memref<4096xf32, #tpu.memory_space<hbm>>
    %dma_wait3A_273 = arith.constant 0 : i32
    %dma_wait3A_274 = tpu.memref_slice %arg14[%dma_wait3A_273] : memref<8192xf32, #tpu.memory_space<vmem>> -> memref<4096xf32, #tpu.memory_space<vmem>>
    tpu.wait_dma2 semaphore(%arg18 : memref<!tpu.dma_semaphore, #tpu.memory_space<semaphore_mem>>) src(%dma_wait3A_274 : memref<4096xf32, #tpu.memory_space<vmem>>) dst(%dma_wait3A_272 : memref<4096xf32, #tpu.memory_space<hbm>>)
    return
  }
}

</mosaic_0001>

<sc_bundles>
// kernel: kernel.3.cloned.1.call-start
scs
__scs_entry_jumppad:
0x0: {  	(pc) =	sbr.rel $0x88, $3  }
0x1: {  	(tag) =	ssettag $0x0;
	lr =	simm.s32 $0x1  }
0x2: {  	[smem:$0x3F9B] =	sst lr;
	_ =	strace $0xD0000000  }
0x3: {  	_ = 	snop  }
0x4: {  	_ = 	snop  }
0x5: {  	_ = 	snop  }
0x6: {  	_ = 	snop  }
0x7: {  	_ = 	snop  }
__scs_overlays_trampoline_lowered:
0x8: {  	[smem:$0x3FAA] =	sst s0  }
0x9: {  	[smem:$0x3FAB] =	sst s1  }
0xa: {  	[smem:$0x3FAC] =	sst s2  }
0xb: {  	[smem:$0x3FAD] =	sst s3  }
0xc: {  	[smem:$0x3FAE] =	sst s4  }
0xd: {  	[smem:$0x3FAF] =	sst s5  }
0xe: {  	[smem:$0x3FB0] =	sst s6  }
0xf: {  	[smem:$0x3FB1] =	sst s7  }
0x10: {  	[smem:$0x3FB2] =	sst s8  }
0x11: {  	[smem:$0x3FB3] =	sst s9;
	s0 =	simm.s32 @!p0 $0x0  }
0x12: {  	s1 =	sld [smem:$0x3F99];
	s0 =	simm.s32 @p0 $0x1  }
0x13: {  	[smem:$0x3FB4] =	sst s0;
	s0 =	simm.s32 @!p1 $0x0  }
0x14: {  	s2 =	sld [smem:$0x3F98];
	s0 =	simm.s32 @p1 $0x1  }
0x15: {  	[smem:$0x3FB5] =	sst s0;
	s0 =	simm.s32 @!p2 $0x0  }
0x16: {  	s3 =	sld [smem:$0x3FDB];
	s0 =	simm.s32 @p2 $0x1  }
0x17: {  	s4 =	simm.s32 $0x1BF5;
	[smem:$0x3FB7] =	sst s0  }
0x18: {  	s0 =	sld [smem:$0x3F9A];
	_ =	swait.ge [sflag:s4], $0x0  }
0x19: {  	s7 =	sld [smem:$0x3F9B]  }
0x1a: {  	s8 =	sadd.s32 $0xFFFFE003, lr  }
0x1b: {  	s9 =	sadd.s32 $0xFFFFFEF7, lr;
	s5 =	simm.s32 $0xFFFFFFFF;
	p2 =	slt.u32 s8, $0xFFFFF086  }
0x1c: {  	p1 =	slt.u32 s9, $0xF7A;
	s5 =	simm.s32 @!p2 $0x0  }
0x1d: {  	s5 =	simm.s32 @p1 $0x1;
	p0 =	seq.s32 s7, s2  }
0x1e: {  	s7 =	smul.u32 @!p0 $0xF7A, s2;
	p2 =	seq.s32 @!p0 s5, $0x0  }
0x1f: {  	s9 =	smul.u32 $0xF7A, s1;
	s8 =	simm.s32 @!p0 $0x1BF5;
	p2 =	por !p2, p0  }
0x20: {  	[sflag:s8] =	ssyncset.s32 @!p0 $0xFFFFF086;
	s6 =	sadd.s32 @!p0 s3, s7;
	s7 =	simm.s32 @!p0 $0x108  }
0x21: {  	s3 =	sadd.s32 s3, s9;
	s6 =	sadd.s32 @!p0 $0x88, s6;
	s7 =	simm.s32 @p2 $0x1082  }
0x22: {  	[simem:s7], [sflag:s8] =	dma.local @!p0 [hbm:s6], $0xF7A  }
0x23: {  	s9 =	sor.u32 $0xD0000000, s2;
	s6 =	simm.s32 $0x108;
	_ =	swait.ge @!p0 [sflag:s8], $0x0  }
0x24: {  	s3 =	sadd.s32 $0x88, s3;
	s6 =	simm.s32 @!p1 $0x1082;
	[sflag:s4] =	ssyncset.s32 $0xFFFFF086  }
0x25: {  	[simem:s6], [sflag:s4] =	dma.local [hbm:s3], $0xF7A  }
0x26: {  	[smem:$0x3F9B] =	sst s1;
	(tag) =	ssettag s2;
	_ =	strace s9  }
0x27: {  	s1 =	sld [smem:$0x3FAB]  }
0x28: {  	s2 =	sld [smem:$0x3FAC]  }
0x29: {  	s4 =	sld [smem:$0x3FAE]  }
0x2a: {  	p0 =	seq.s32 s5, $0x0;
	s5 =	sld [smem:$0x3FAF]  }
0x2b: {  	s6 =	sld [smem:$0x3FB0]  }
0x2c: {  	s7 =	sld [smem:$0x3FB1]  }
0x2d: {  	s3 =	simm.s32 $0x108;
	s8 =	sld [smem:$0x3FB2]  }
0x2e: {  	s3 =	simm.s32 @!p0 $0x1082;
	s9 =	sld [smem:$0x3FB3]  }
0x2f: {  	lr =	sadd.s32 s0, s3;
	s0 =	sld [smem:$0x3FAA]  }
0x30: {  	s3 =	sld [smem:$0x3FAD]  }
0x31: {  	[smem:$0x3FB6] =	sst s10  }
0x32: {  	s10 =	sld [smem:$0x3FB4];
	_ =	sdelay $0x3  }
0x33: {  	p0 =	seq.s32 s10, $0x1;
	s10 =	sld [smem:$0x3FB6];
	_ =	sdelay $0x3  }
0x34: {  	[smem:$0x3FB6] =	sst s10  }
0x35: {  	s10 =	sld [smem:$0x3FB5];
	_ =	sdelay $0x3  }
0x36: {  	p1 =	seq.s32 s10, $0x1;
	s10 =	sld [smem:$0x3FB6];
	_ =	sdelay $0x3  }
0x37: {  	[smem:$0x3FB6] =	sst s10  }
0x38: {  	s10 =	sld [smem:$0x3FB7]  }
0x39: {  	_ = 	snop;
	(pc) =	sbr.ind lr, $3  }
0x3a: {  	_ = 	snop  }
0x3b: {  	_ = 	snop  }
0x3c: {  	p2 =	seq.s32 s10, $0x1;
	s10 =	sld [smem:$0x3FB6]  }
0x3d: {  	_ =	shalt  }
0x3e: {  	_ =	shalt  }
0x3f: {  	_ =	shalt  }
0x40: {  	_ =	shalt  }
0x41: {  	_ =	shalt  }
0x42: {  	_ =	shalt  }
0x43: {  	_ =	shalt  }
0x44: {  	_ =	shalt  }
0x45: {  	_ =	shalt  }
0x46: {  	_ =	shalt  }
0x47: {  	_ =	shalt  }
0x48: {  	_ =	shalt  }
0x49: {  	_ =	shalt  }
0x4a: {  	_ =	shalt  }
0x4b: {  	_ =	shalt  }
0x4c: {  	_ =	shalt  }
0x4d: {  	_ =	shalt  }
0x4e: {  	_ =	shalt  }
0x4f: {  	_ =	shalt  }
0x50: {  	_ =	shalt  }
0x51: {  	_ =	shalt  }
0x52: {  	_ =	shalt  }
0x53: {  	_ =	shalt  }
0x54: {  	_ =	shalt  }
0x55: {  	_ =	shalt  }
0x56: {  	_ =	shalt  }
0x57: {  	_ =	shalt  }
0x58: {  	_ =	shalt  }
0x59: {  	_ =	shalt  }
0x5a: {  	_ =	shalt  }
0x5b: {  	_ =	shalt  }
0x5c: {  	_ =	shalt  }
0x5d: {  	_ =	shalt  }
0x5e: {  	_ =	shalt  }
0x5f: {  	_ =	shalt  }
0x60: {  	_ =	shalt  }
0x61: {  	_ =	shalt  }
0x62: {  	_ =	shalt  }
0x63: {  	_ =	shalt  }
0x64: {  	_ =	shalt  }
0x65: {  	_ =	shalt  }
0x66: {  	_ =	shalt  }
0x67: {  	_ =	shalt  }
0x68: {  	_ =	shalt  }
0x69: {  	_ =	shalt  }
0x6a: {  	_ =	shalt  }
0x6b: {  	_ =	shalt  }
0x6c: {  	_ =	shalt  }
0x6d: {  	_ =	shalt  }
0x6e: {  	_ =	shalt  }
0x6f: {  	_ =	shalt  }
0x70: {  	_ =	shalt  }
0x71: {  	_ =	shalt  }
0x72: {  	_ =	shalt  }
0x73: {  	_ =	shalt  }
0x74: {  	_ =	shalt  }
0x75: {  	_ =	shalt  }
0x76: {  	_ =	shalt  }
0x77: {  	_ =	shalt  }
0x78: {  	_ =	shalt  }
0x79: {  	_ =	shalt  }
0x7a: {  	_ =	shalt  }
0x7b: {  	_ =	shalt  }
0x7c: {  	_ =	shalt  }
0x7d: {  	_ =	shalt  }
0x7e: {  	_ =	shalt  }
0x7f: {  	_ =	shalt  }
0x80: {  	_ =	shalt  }
0x81: {  	_ =	shalt  }
0x82: {  	_ =	shalt  }
0x83: {  	_ =	shalt  }
0x84: {  	_ =	shalt  }
0x85: {  	_ =	shalt  }
0x86: {  	_ =	shalt  }
0x87: {  	_ =	shalt  }
.Lfunc_end0:
.L_simem_size_0:
called_computation_lowered:
.L_overlay_start_0:
0x88: {  	s2 =	sld [smem:$0x3FD9]  }
0x89: {  	s3 =	sld [smem:$0x3FFE];
	_ =	sdelay $0x1  }
0x8a: {  	s1 =	srdreg.scid  }
0x8b: {  	s0 =	sand.u32 $0x1, s1  }
0x8c: {  	s14 =	sshll.u32 s0, $0xA;
	s2 =	sadd.s32 s3, s2  }
0x8d: {  	s2 =	sadd.s32 s2, s14  }
0x8e: {  	[smem:$0x3FC2] =	sst s2  }
0x8f: {  	_ = 	snop  }
0x90: {  	s2 =	sld [smem:$0x3FD0];
	_ =	sdelay $0x1  }
0x91: {  	s15 =	sld [smem:$0x3FC9]  }
0x92: {  	s5 =	simm.s32 $0xA;
	s6 =	simm.s32 $0x10;
	s4 =	sld [smem:$0x3FC8]  }
0x93: {  	[smem:s6], [sflag:s5] =	dma.local [hbm:s2], $0x1  }
0x94: {  	_ =	swait.eq [sflag:s5], $0x1  }
0x95: {  	[sflag:s5] =	ssyncset.done $0x0  }
0x96: {  	s16 =	sld [smem:$0x10];
	[sflag:s5] =	ssyncadd.s32 $0xFFFFFFFF  }
0x97: {  	s17 =	sld [smem:$0x11];
	(tm) =	ssettm $0x1  }
0x98: {  	s18 =	sld [smem:$0x3FFB];
	_ =	sdelay $0x3  }
0x99: {  	_ =	strace s18  }
0x9a: {  	s6 =	sld [smem:$0x3FFC];
	_ =	sdelay $0x3  }
0x9b: {  	_ =	strace s6  }
0x9c: {  	s6 =	sld [smem:$0x3FFD];
	_ =	sdelay $0x3  }
0x9d: {  	_ =	strace s6  }
0x9e: {  	_ =	strace $0x8FFFFFFF  }
0x9f: {  	s19 =	sld [smem:$0x3FDB];
	_ =	sdelay $0x1  }
0xa0: {  	s7 =	simm.s32 $_scs_section_size  }
0xa1: {  	s8 =	simm.s32 $_size__tile_overlayer_lowered;
	s9 =	simm.s32 $_tile_overlayer_lowered  }
0xa2: {  	s22 =	simm.s32 $0x1BFF;
	s21 =	sshll.u32 s9, $0x1;
	s6 =	sadd.s32 s7, s19  }
0xa3: {  	s10 =	simm.s32 $0x0;
	s20 =	sshll.u32 s8, $0x1;
	s8 =	sadd.s32 s21, s6  }
0xa4: {  	[timem:s10], [sflag:s22] =	dma.local [hbm:s8], s20  }
0xa5: {  	_ =	swait.ge [sflag:s22], s20  }
0xa6: {  	s7 =	ssub.s32 $0x0, s20;
	[sflag:s22] =	ssyncset.done $0x0  }
0xa7: {  	[sflag:s22] =	ssyncadd.s32 s7;
	_ =	sdelay $0x1  }
0xa8: {  	s23 =	simm.s32 $0x1B8B  }
0xa9: {  	_ =	swait.ge [sflag:s23], $0x1  }
0xaa: {  	[sflag:s23] =	ssyncset.done $0x0  }
0xab: {  	s25 =	simm.s32 $0x1B8E;
	s24 =	sld [smem:$0x3FFE];
	[sflag:s23] =	ssyncadd.s32 $0xFFFFFFFF  }
0xac: {  	s26 =	simm.s32 $execute0_lowered;
	[smem:$0x3FD2] =	sst s25  }
0xad: {  	s8 =	sshll.u32 s26, $0x1;
	_ =	strace $0x80000046;
	[dreg:$0x1] =	wrdreg $0xFFFFFFFF  }
0xae: {  	s28 =	simm.s32 $_size_execute0_lowered;
	s6 =	sadd.s32 s6, s8;
	[dreg:$0x0] =	wrdreg $0x0  }
0xaf: {  	s8 =	sshll.u32 s28, $0x1;
	[dreg:$0x2] =	wrdreg s6  }
0xb0: {  	[dreg:$0x3] =	wrdreg s8  }
0xb1: {  	[dreg:$0x4] =	wrdreg $0xC0  }
0xb2: {  	_ =	task [dreg:s10], $0x5FFFF  }
0xb3: {  	[dreg:$0x1] =	wrdreg $0xFFFFFFFF  }
0xb4: {  	[dreg:$0x0] =	wrdreg $0x60  }
0xb5: {  	[dreg:$0x2] =	wrdreg s15  }
0xb6: {  	[dreg:$0x3] =	wrdreg s4  }
0xb7: {  	[dreg:$0x4] =	wrdreg s24  }
0xb8: {  	[dreg:$0x5] =	wrdreg s16  }
0xb9: {  	[dreg:$0x6] =	wrdreg s17  }
0xba: {  	[dreg:$0x7] =	wrdreg $0x9  }
0xbb: {  	_ =	task.clear_ibuf [dreg:s10], $0x8FFFF;
	_ =	strace $0x90000046  }
0xbc: {  	s29 =	simm.s32 $0x9;
	_ =	strace $0x80000048  }
0xbd: {  	_ =	swait.ge [sflag:s29], $0x1  }
0xbe: {  	[sflag:s29] =	ssyncadd.s32 $0xFFFFFFFF  }
0xbf: {  	_ =	strace $0x90000048  }
0xc0: {  	_ =	sfence  }
0xc1: {  	s30 =	sld [smem:$0x0];
	_ =	sdelay $0x2  }
0xc2: {  	s31 =	sshll.u32 s1, $0xD;
	s1 =	sshrl.u32 s1, $0x2  }
0xc3: {  	s3 =	sand.u32 $0x4000, s31;
	s1 =	sadd.s32 s1, s30  }
0xc4: {  	s0 =	sor.u32 s3, s0;
	s1 =	sshll.u32 s1, $0x11  }
0xc5: {  	s0 =	sor.u32 s1, s0  }
0xc6: {  	s0 =	sadd.s32 $0x8F2B, s0  }
0xc7: {  	[sflag:s0] =	ssyncadd.remote.s32 $0x1  }
0xc8: {  	_ =	sfence.sel $0xFFFF  }
0xc9: {  	[dreg:$0x0] =	wrdreg $0xFFFFFFFF;
	(pc) =	sbr.abs _section_cstart, $3  }
0xca: {  	[dreg:$0x1] =	wrdreg $0xFFFFFFFF  }
0xcb: {  	_ =	task.clear_ibuf [dreg:s10], $0x2FFFF;
	_ =	strace $0x9FFFFFFF  }
0xcc: {  	(tm) =	ssettm $0x7FFFFFFF  }
0xcd: {  	_ =	shalt  }
tec
execute0_lowered:
.L_overlay_start_1:
0x0: {  	(tag) =	ssettag $0x1  }
0x1: {  	s0 =	rddreg [dreg:$0x0]  }
0x2: {  	s2 =	rddreg [dreg:$0x1]  }
0x3: {  	s3 =	rddreg [dreg:$0x2]  }
0x4: {  	s4 =	rddreg [dreg:$0x3]  }
0x5: {  	s5 =	rddreg [dreg:$0x4]  }
0x6: {  	s1 =	simm.s32 $0x0;
	s6 =	srdreg.scid;
	s9 =	stileid.u32  }
0x7: {  	s28 =	simm.s32 $0x5;
	s29 =	simm.s32 $0x3000;
	s30 =	simm.s32 $0x7000  }
0x8: {  	s31 =	simm.s32 $0x1;
	[smem:$0x7FF] =	sst s1;
	s6 =	sand.u32 $0x1, s6  }
0x9: {  	s9 =	sshll.u32 s9, $0xD;
	s3 =	sadd.s32 $0x600, s3;
	_ =	strace $0x80000047  }
0xa: {  	s7 =	ssub.s32 $0x2, s6;
	s6 =	sshll.u32 s6, $0xC;
	[dreg:$0x6] =	wrdreg s3  }
0xb: {  	s3 =	simm.s32 $0x2;
	s8 =	sshrl.u32 s7, $0x1;
	s6 =	sor.u32 s6, s9  }
0xc: {  	s13 =	ssub.s32 s7, s8;
	s16 =	sadd.s32 s2, s6;
	s17 =	sadd.s32 s0, s6  }
0xd: {  	s18 =	sor.u32 $0x200, s6;
	s21 =	sor.u32 $0x600, s6;
	s9 =	sadd.s32 s4, s6  }
0xe: {  	s22 =	sadd.s32 s5, s6;
	s26 =	sor.u32 $0xA00, s6;
	[dreg:$0x7] =	wrdreg s16  }
0xf: {  	s6 =	sor.u32 $0xE00, s6;
	s8 =	simm.s32 $0x0;
	[dreg:$0x8] =	wrdreg s17  }
0x10: {  	s19 =	sadd.s32 s2, s18;
	s20 =	sadd.s32 s0, s18;
	[dreg:$0xb] =	wrdreg s9  }
0x11: {  	[dreg:$0xc] =	wrdreg s22;
	s23 =	sadd.s32 s2, s21;
	s24 =	sadd.s32 s0, s21  }
0x12: {  	s25 =	sadd.s32 s4, s18;
	s7 =	sadd.s32 s5, s18;
	[dreg:$0x9] =	wrdreg s19  }
0x13: {  	s14 =	sadd.s32 s2, s26;
	s15 =	sadd.s32 s0, s26;
	[dreg:$0xa] =	wrdreg s20  }
0x14: {  	s16 =	sadd.s32 s4, s21;
	s17 =	sadd.s32 s5, s21;
	[dreg:$0xd] =	wrdreg s23  }
0x15: {  	s18 =	sadd.s32 s2, s6;
	s21 =	sadd.s32 s5, s26;
	[dreg:$0xe] =	wrdreg s24  }
0x16: {  	s22 =	sadd.s32 s4, s6;
	s2 =	simm.s32 $0xD000;
	[dreg:$0xf] =	wrdreg s25  }
0x17: {  	[dreg:$0x10] =	wrdreg s7;
	s19 =	sadd.s32 s0, s6;
	s20 =	sadd.s32 s4, s26  }
0x18: {  	s23 =	sadd.s32 s5, s6;
	s24 =	smax.u32 s13, $0x1;
	s25 =	simm.s32 $0x1000  }
0x19: {  	s26 =	simm.s32 $0x5000;
	s0 =	simm.s32 $0x9000;
	s4 =	simm.s32 $0xB000  }
0x1a: {  	s5 =	simm.s32 $0xF000;
	s6 =	simm.s32 $0x3;
	s7 =	simm.s32 $0x4  }
.LBB2_1:
0x1b: {  	s9 =	rddreg [dreg:$0x7]  }
0x1c: {  	[tilespmem:s25], [sflag:$0x1] =	stream.linear.gather [hbm4b:s9+s1], $0x1000, $0x38;
	[tilespmem:$0x11000] =	vst v63  }
0x1d: {  	s13 =	rddreg [dreg:$0x8]  }
0x1e: {  	[tilespmem:s26], [sflag:$0x1] =	stream.linear.gather [hbm4b:s13+s1], $0x1000, $0x38;
	[tilespmem:$0x11000] =	vst v63  }
0x1f: {  	s10 =	rddreg [dreg:$0x6]  }
0x20: {  	[tilespmem:s1], [sflag:$0x5] =	stream.linear.gather [hbm4b:s10+s1], $0x1000, $0x38;
	[tilespmem:$0x11000] =	vst v63  }
0x21: {  	_ =	swait.ge [sflag:s28], $0x1000  }
0x22: {  	[sflag:s28] =	ssyncset.done $0x0  }
0x23: {  	s11 =	rddreg [dreg:$0x9];
	[sflag:s28] =	ssyncadd.s32 $0xFFFFF000  }
0x24: {  	[tilespmem:s29], [sflag:$0x2] =	stream.linear.gather [hbm4b:s11+s1], $0x2000, $0x38;
	[tilespmem:$0x11000] =	vst v63  }
0x25: {  	s12 =	rddreg [dreg:$0xa]  }
0x26: {  	[tilespmem:s30], [sflag:$0x2] =	stream.linear.gather [hbm4b:s12+s1], $0x2000, $0x38;
	[tilespmem:$0x11000] =	vst v63  }
0x27: {  	_ =	swait.ge [sflag:s31], $0x1000  }
0x28: {  	[sflag:s31] =	ssyncset.done $0x0  }
0x29: {  	[sflag:s31] =	ssyncadd.s32 $0xFFFFF000  }
0x2a: {  	_ =	swait.ge [sflag:s31], $0x1000  }
0x2b: {  	[sflag:s31] =	ssyncset.done $0x0  }
0x2c: {  	s13 =	simm.s32 $0x1020;
	[sflag:s31] =	ssyncadd.s32 $0xFFFFF000  }
0x2d: {  	v0 =	vld [tilespmem:s13+$0x10];
	_ =	sdelay $0x2  }
0x2e: {  	v1 =	vld [tilespmem:s13+$0xFFFFFFE0]  }
0x2f: {  	v2 =	vld [tilespmem:s13+$0xFFFFFFF0]  }
0x30: {  	s9 =	simm.s32 $0x5020;
	v8 =	vld [tilespmem:s13+$0x0];
	v3 =	vadd.s32 $0x400, v0  }
0x31: {  	v6 =	vld [tilespmem:s9+$0x10]  }
0x32: {  	v13 =	vld [tilespmem:s9+$0xFFFFFFE0];
	v4 =	vadd.s32 $0x800, v0  }
0x33: {  	v5 =	vld.idx.msk [tilespmem:v0+s1+$0x0], $0xffff  }
0x34: {  	v16 =	vld [tilespmem:s9+$0xFFFFFFF0];
	v0 =	vadd.s32 $0xC00, v0  }
0x35: {  	v3 =	vld.idx.msk [tilespmem:v3+s1+$0x0], $0xffff  }
0x36: {  	v18 =	vld [tilespmem:s9+$0x0]  }
0x37: {  	v9 =	vadd.s32 $0x400, v1;
	v4 =	vld.idx.msk [tilespmem:v4+s1+$0x0], $0xffff  }
0x38: {  	v14 =	vadd.s32 $0x800, v1;
	v7 =	vld.idx.msk [tilespmem:v1+s1+$0x0], $0xffff;
	v5 =	vmul.f32 v5, v6  }
0x39: {  	v11 =	vld.idx.msk [tilespmem:v0+s1+$0x0], $0xffff;
	v0 =	vadd.s32 $0x400, v2  }
0x3a: {  	v10 =	vld.idx.msk [tilespmem:v2+s1+$0x0], $0xffff;
	v6 =	vadd.s32 $0x400, v8;
	v15 =	vadd.f32 v3, v5  }
0x3b: {  	v17 =	vadd.s32 $0x800, v2;
	v12 =	vld.idx.msk [tilespmem:v8+s1+$0x0], $0xffff  }
0x3c: {  	v5 =	vld.idx.msk [tilespmem:v9+s1+$0x0], $0xffff;
	v3 =	vmul.f32 v15, v4  }
0x3d: {  	v9 =	vmul.f32 v7, v13;
	v7 =	vld.idx.msk [tilespmem:v14+s1+$0x0], $0xffff  }
0x3e: {  	s11 =	simm.s32 $0x9020;
	v4 =	vld.idx.msk [tilespmem:v0+s1+$0x0], $0xffff;
	v11 =	vadd.f32 v11, v3  }
0x3f: {  	s10 =	simm.s32 $0xD020;
	v10 =	vmul.f32 v10, v16;
	[tilespmem:s11+$0x10] =	vst v15;
	v0 =	vadd.s32 $0xC00, v2;
	v6 =	vld.idx.msk [tilespmem:v6+s1+$0x0], $0xffff;
	v2 =	vadd.s32 $0x800, v8  }
0x40: {  	s12 =	simm.s32 $0x0;
	s13 =	simm.s32 $0x1060;
	v3 =	vadd.s32 $0xC00, v1;
	v1 =	vadd.s32 $0xC00, v8;
	v8 =	vld.idx.msk [tilespmem:v17+s1+$0x0], $0xffff;
	[tilespmem:s10+$0x10] =	vst v11;
	v11 =	vmul.f32 v12, v18  }
.LBB2_2:
0x41: {  	v12 =	vld [tilespmem:s13+$0x10];
	s12 =	sadd.s32 $0x4, s12  }
0x42: {  	v5 =	vadd.f32 v5, v9;
	v13 =	vld [tilespmem:s13+$0xFFFFFFF0];
	p0 =	slt.u32 s12, $0xFC  }
0x43: {  	v4 =	vadd.f32 v4, v10;
	v9 =	vld [tilespmem:s13+$0x0]  }
0x44: {  	v6 =	vadd.f32 v6, v11;
	v10 =	vld [tilespmem:s13+$0xFFFFFFE0]  }
0x45: {  	v7 =	vmul.f32 v5, v7;
	v11 =	vld.idx.msk [tilespmem:v2+s1+$0x0], $0xffff  }
0x46: {  	v14 =	vadd.s32 $0x400, v12;
	v15 =	vld.idx.msk [tilespmem:v3+s1+$0x0], $0xffff;
	[tilespmem:s11+$0xFFFFFFE0] =	vst v5;
	v5 =	vmul.f32 v4, v8  }
0x47: {  	v8 =	vadd.s32 $0x400, v13;
	v16 =	vadd.s32 $0x800, v13;
	v17 =	vld.idx.msk [tilespmem:v0+s1+$0x0], $0xffff;
	v0 =	vadd.s32 $0xC00, v13;
	[tilespmem:s11+$0xFFFFFFF0] =	vst v4  }
0x48: {  	v4 =	vadd.s32 $0x800, v12;
	v18 =	vadd.s32 $0x400, v9;
	v2 =	vadd.s32 $0x800, v9;
	v19 =	vld.idx.msk [tilespmem:v1+s1+$0x0], $0xffff;
	[tilespmem:s11+$0x0] =	vst v6  }
0x49: {  	s9 =	sadd.s32 $0x40, s9;
	v20 =	vadd.s32 $0x400, v10;
	v21 =	vadd.s32 $0x800, v10;
	v3 =	vadd.s32 $0xC00, v10;
	v22 =	vld.idx.msk [tilespmem:v12+s1+$0x0], $0xffff  }
0x4a: {  	v1 =	vadd.s32 $0xC00, v9;
	v12 =	vadd.s32 $0xC00, v12;
	v23 =	vld [tilespmem:s9+$0x10]  }
0x4b: {  	v6 =	vmul.f32 v6, v11;
	v14 =	vld.idx.msk [tilespmem:v14+s1+$0x0], $0xffff  }
0x4c: {  	v7 =	vadd.f32 v15, v7;
	v10 =	vld.idx.msk [tilespmem:v10+s1+$0x0], $0xffff  }
0x4d: {  	v5 =	vadd.f32 v17, v5;
	v4 =	vld.idx.msk [tilespmem:v4+s1+$0x0], $0xffff  }
0x4e: {  	v6 =	vadd.f32 v19, v6;
	v11 =	vld.idx.msk [tilespmem:v13+s1+$0x0], $0xffff;
	[tilespmem:s10+$0xFFFFFFE0] =	vst v7  }
0x4f: {  	v7 =	vld.idx.msk [tilespmem:v12+s1+$0x0], $0xffff;
	v12 =	vmul.f32 v22, v23;
	[tilespmem:s10+$0xFFFFFFF0] =	vst v5  }
0x50: {  	v13 =	vld.idx.msk [tilespmem:v9+s1+$0x0], $0xffff;
	[tilespmem:s10+$0x0] =	vst v6  }
0x51: {  	v6 =	vld [tilespmem:s9+$0xFFFFFFE0];
	v12 =	vadd.f32 v14, v12  }
0x52: {  	v14 =	vld [tilespmem:s9+$0xFFFFFFF0]  }
0x53: {  	v15 =	vld [tilespmem:s9+$0x0];
	v9 =	vmul.f32 v12, v4  }
.Ltmp0:
0x54: {  	v5 =	vld.idx.msk [tilespmem:v20+s1+$0x0], $0xffff;
	(pc) =	sbr.rel @p0 .LBB2_2-.Ltmp0, $4  }
0x55: {  	s11 =	sadd.s32 $0x40, s11;
	v4 =	vld.idx.msk [tilespmem:v8+s1+$0x0], $0xffff;
	v8 =	vadd.f32 v7, v9  }
0x56: {  	s10 =	sadd.s32 $0x40, s10;
	v9 =	vmul.f32 v10, v6;
	v6 =	vld.idx.msk [tilespmem:v18+s1+$0x0], $0xffff;
	[tilespmem:s11+$0x10] =	vst v12  }
0x57: {  	v7 =	vld.idx.msk [tilespmem:v21+s1+$0x0], $0xffff;
	v10 =	vmul.f32 v11, v14;
	[tilespmem:s10+$0x10] =	vst v8  }
0x58: {  	s13 =	sadd.s32 $0x40, s13;
	v8 =	vld.idx.msk [tilespmem:v16+s1+$0x0], $0xffff;
	v11 =	vmul.f32 v13, v15  }
0x59: {  	_ =	sdelay $0x3  }
0x5a: {  	v2 =	vld.idx.msk [tilespmem:v2+s1+$0x0], $0xffff  }
0x5b: {  	v3 =	vld.idx.msk [tilespmem:v3+s1+$0x0], $0xffff  }
0x5c: {  	v5 =	vadd.f32 v5, v9;
	v0 =	vld.idx.msk [tilespmem:v0+s1+$0x0], $0xffff  }
0x5d: {  	v1 =	vld.idx.msk [tilespmem:v1+s1+$0x0], $0xffff;
	v4 =	vadd.f32 v4, v10  }
0x5e: {  	v6 =	vadd.f32 v6, v11;
	v7 =	vmul.f32 v5, v7  }
0x5f: {  	[tilespmem:s11+$0xFFFFFFE0] =	vst v5;
	v5 =	vmul.f32 v4, v8  }
0x60: {  	[tilespmem:s11+$0xFFFFFFF0] =	vst v4;
	v2 =	vmul.f32 v6, v2;
	v3 =	vadd.f32 v3, v7  }
0x61: {  	[tilespmem:s11+$0x0] =	vst v6;
	v0 =	vadd.f32 v0, v5  }
0x62: {  	[tilespmem:s10+$0xFFFFFFE0] =	vst v3;
	v1 =	vadd.f32 v1, v2  }
0x63: {  	[tilespmem:s10+$0xFFFFFFF0] =	vst v0  }
0x64: {  	[tilespmem:s10+$0x0] =	vst v1  }
0x65: {  	s9 =	rddreg [dreg:$0xb]  }
0x66: {  	[hbm4b:s9+s1] =	stream.linear.scatter [tilespmem:s0], [sflag:$0x3], $0x1000, $0x38;
	[tilespmem:$0x11000] =	vst v63  }
0x67: {  	s10 =	rddreg [dreg:$0xc]  }
0x68: {  	[hbm4b:s10+s1] =	stream.linear.scatter [tilespmem:s2], [sflag:$0x3], $0x1000, $0x38;
	[tilespmem:$0x11000] =	vst v63  }
0x69: {  	s11 =	rddreg [dreg:$0xd]  }
0x6a: {  	[tilespmem:s25], [sflag:$0x1] =	stream.linear.gather [hbm4b:s11+s1], $0x2000, $0x38;
	[tilespmem:$0x11000] =	vst v63  }
0x6b: {  	s12 =	rddreg [dreg:$0xe]  }
0x6c: {  	[tilespmem:s26], [sflag:$0x1] =	stream.linear.gather [hbm4b:s12+s1], $0x2000, $0x38;
	[tilespmem:$0x11000] =	vst v63  }
0x6d: {  	_ =	swait.ge [sflag:s3], $0x2000  }
0x6e: {  	[sflag:s3] =	ssyncset.done $0x0  }
0x6f: {  	[sflag:s3] =	ssyncadd.s32 $0xFFFFE000  }
0x70: {  	_ =	swait.ge [sflag:s3], $0x2000  }
0x71: {  	[sflag:s3] =	ssyncset.done $0x0  }
0x72: {  	s13 =	simm.s32 $0x3020;
	[sflag:s3] =	ssyncadd.s32 $0xFFFFE000  }
0x73: {  	v0 =	vld [tilespmem:s13+$0x10];
	_ =	sdelay $0x2  }
0x74: {  	v1 =	vld [tilespmem:s13+$0xFFFFFFE0]  }
0x75: {  	v2 =	vld [tilespmem:s13+$0xFFFFFFF0]  }
0x76: {  	s9 =	simm.s32 $0x7020;
	v8 =	vld [tilespmem:s13+$0x0];
	v3 =	vadd.s32 $0x400, v0  }
0x77: {  	v6 =	vld [tilespmem:s9+$0x10]  }
0x78: {  	v13 =	vld [tilespmem:s9+$0xFFFFFFE0];
	v4 =	vadd.s32 $0x800, v0  }
0x79: {  	v5 =	vld.idx.msk [tilespmem:v0+s1+$0x0], $0xffff  }
0x7a: {  	v16 =	vld [tilespmem:s9+$0xFFFFFFF0];
	v0 =	vadd.s32 $0xC00, v0  }
0x7b: {  	v3 =	vld.idx.msk [tilespmem:v3+s1+$0x0], $0xffff  }
0x7c: {  	v18 =	vld [tilespmem:s9+$0x0]  }
0x7d: {  	v9 =	vadd.s32 $0x400, v1;
	v4 =	vld.idx.msk [tilespmem:v4+s1+$0x0], $0xffff  }
0x7e: {  	v14 =	vadd.s32 $0x800, v1;
	v7 =	vld.idx.msk [tilespmem:v1+s1+$0x0], $0xffff;
	v5 =	vmul.f32 v5, v6  }
0x7f: {  	v11 =	vld.idx.msk [tilespmem:v0+s1+$0x0], $0xffff;
	v0 =	vadd.s32 $0x400, v2  }
0x80: {  	v10 =	vld.idx.msk [tilespmem:v2+s1+$0x0], $0xffff;
	v6 =	vadd.s32 $0x400, v8;
	v15 =	vadd.f32 v3, v5  }
0x81: {  	v17 =	vadd.s32 $0x800, v2;
	v12 =	vld.idx.msk [tilespmem:v8+s1+$0x0], $0xffff  }
0x82: {  	v5 =	vld.idx.msk [tilespmem:v9+s1+$0x0], $0xffff;
	v3 =	vmul.f32 v15, v4  }
0x83: {  	v9 =	vmul.f32 v7, v13;
	v7 =	vld.idx.msk [tilespmem:v14+s1+$0x0], $0xffff  }
0x84: {  	s11 =	simm.s32 $0xB020;
	v4 =	vld.idx.msk [tilespmem:v0+s1+$0x0], $0xffff;
	v11 =	vadd.f32 v11, v3  }
0x85: {  	s10 =	simm.s32 $0xF020;
	v10 =	vmul.f32 v10, v16;
	[tilespmem:s11+$0x10] =	vst v15;
	v0 =	vadd.s32 $0xC00, v2;
	v6 =	vld.idx.msk [tilespmem:v6+s1+$0x0], $0xffff;
	v2 =	vadd.s32 $0x800, v8  }
0x86: {  	s12 =	simm.s32 $0x0;
	s13 =	simm.s32 $0x3060;
	v3 =	vadd.s32 $0xC00, v1;
	v1 =	vadd.s32 $0xC00, v8;
	v8 =	vld.idx.msk [tilespmem:v17+s1+$0x0], $0xffff;
	[tilespmem:s10+$0x10] =	vst v11;
	v11 =	vmul.f32 v12, v18  }
.LBB2_4:
0x87: {  	v12 =	vld [tilespmem:s13+$0x10];
	s12 =	sadd.s32 $0x4, s12  }
0x88: {  	v5 =	vadd.f32 v5, v9;
	v13 =	vld [tilespmem:s13+$0xFFFFFFF0];
	p0 =	slt.u32 s12, $0x1FC  }
0x89: {  	v4 =	vadd.f32 v4, v10;
	v9 =	vld [tilespmem:s13+$0x0]  }
0x8a: {  	v6 =	vadd.f32 v6, v11;
	v10 =	vld [tilespmem:s13+$0xFFFFFFE0]  }
0x8b: {  	v7 =	vmul.f32 v5, v7;
	v11 =	vld.idx.msk [tilespmem:v2+s1+$0x0], $0xffff  }
0x8c: {  	v14 =	vadd.s32 $0x400, v12;
	v15 =	vld.idx.msk [tilespmem:v3+s1+$0x0], $0xffff;
	[tilespmem:s11+$0xFFFFFFE0] =	vst v5;
	v5 =	vmul.f32 v4, v8  }
0x8d: {  	v8 =	vadd.s32 $0x400, v13;
	v16 =	vadd.s32 $0x800, v13;
	v17 =	vld.idx.msk [tilespmem:v0+s1+$0x0], $0xffff;
	v0 =	vadd.s32 $0xC00, v13;
	[tilespmem:s11+$0xFFFFFFF0] =	vst v4  }
0x8e: {  	v4 =	vadd.s32 $0x800, v12;
	v18 =	vadd.s32 $0x400, v9;
	v2 =	vadd.s32 $0x800, v9;
	v19 =	vld.idx.msk [tilespmem:v1+s1+$0x0], $0xffff;
	[tilespmem:s11+$0x0] =	vst v6  }
0x8f: {  	s9 =	sadd.s32 $0x40, s9;
	v20 =	vadd.s32 $0x400, v10;
	v21 =	vadd.s32 $0x800, v10;
	v3 =	vadd.s32 $0xC00, v10;
	v22 =	vld.idx.msk [tilespmem:v12+s1+$0x0], $0xffff  }
0x90: {  	v1 =	vadd.s32 $0xC00, v9;
	v12 =	vadd.s32 $0xC00, v12;
	v23 =	vld [tilespmem:s9+$0x10]  }
0x91: {  	v6 =	vmul.f32 v6, v11;
	v14 =	vld.idx.msk [tilespmem:v14+s1+$0x0], $0xffff  }
0x92: {  	v7 =	vadd.f32 v15, v7;
	v10 =	vld.idx.msk [tilespmem:v10+s1+$0x0], $0xffff  }
0x93: {  	v5 =	vadd.f32 v17, v5;
	v4 =	vld.idx.msk [tilespmem:v4+s1+$0x0], $0xffff  }
0x94: {  	v6 =	vadd.f32 v19, v6;
	v11 =	vld.idx.msk [tilespmem:v13+s1+$0x0], $0xffff;
	[tilespmem:s10+$0xFFFFFFE0] =	vst v7  }
0x95: {  	v7 =	vld.idx.msk [tilespmem:v12+s1+$0x0], $0xffff;
	v12 =	vmul.f32 v22, v23;
	[tilespmem:s10+$0xFFFFFFF0] =	vst v5  }
0x96: {  	v13 =	vld.idx.msk [tilespmem:v9+s1+$0x0], $0xffff;
	[tilespmem:s10+$0x0] =	vst v6  }
0x97: {  	v6 =	vld [tilespmem:s9+$0xFFFFFFE0];
	v12 =	vadd.f32 v14, v12  }
0x98: {  	v14 =	vld [tilespmem:s9+$0xFFFFFFF0]  }
0x99: {  	v15 =	vld [tilespmem:s9+$0x0];
	v9 =	vmul.f32 v12, v4  }
.Ltmp1:
0x9a: {  	v5 =	vld.idx.msk [tilespmem:v20+s1+$0x0], $0xffff;
	(pc) =	sbr.rel @p0 .LBB2_4-.Ltmp1, $4  }
0x9b: {  	s11 =	sadd.s32 $0x40, s11;
	v4 =	vld.idx.msk [tilespmem:v8+s1+$0x0], $0xffff;
	v8 =	vadd.f32 v7, v9  }
0x9c: {  	s10 =	sadd.s32 $0x40, s10;
	v9 =	vmul.f32 v10, v6;
	v6 =	vld.idx.msk [tilespmem:v18+s1+$0x0], $0xffff;
	[tilespmem:s11+$0x10] =	vst v12  }
0x9d: {  	v7 =	vld.idx.msk [tilespmem:v21+s1+$0x0], $0xffff;
	v10 =	vmul.f32 v11, v14;
	[tilespmem:s10+$0x10] =	vst v8  }
0x9e: {  	s13 =	sadd.s32 $0x40, s13;
	v8 =	vld.idx.msk [tilespmem:v16+s1+$0x0], $0xffff;
	v11 =	vmul.f32 v13, v15  }
0x9f: {  	_ =	sdelay $0x3  }
0xa0: {  	v2 =	vld.idx.msk [tilespmem:v2+s1+$0x0], $0xffff  }
0xa1: {  	v3 =	vld.idx.msk [tilespmem:v3+s1+$0x0], $0xffff  }
0xa2: {  	v5 =	vadd.f32 v5, v9;
	v0 =	vld.idx.msk [tilespmem:v0+s1+$0x0], $0xffff  }
0xa3: {  	v1 =	vld.idx.msk [tilespmem:v1+s1+$0x0], $0xffff;
	v4 =	vadd.f32 v4, v10  }
0xa4: {  	v6 =	vadd.f32 v6, v11;
	v7 =	vmul.f32 v5, v7  }
0xa5: {  	[tilespmem:s11+$0xFFFFFFE0] =	vst v5;
	v5 =	vmul.f32 v4, v8  }
0xa6: {  	[tilespmem:s11+$0xFFFFFFF0] =	vst v4;
	v2 =	vmul.f32 v6, v2;
	v3 =	vadd.f32 v3, v7  }
0xa7: {  	[tilespmem:s11+$0x0] =	vst v6;
	v0 =	vadd.f32 v0, v5  }
0xa8: {  	[tilespmem:s10+$0xFFFFFFE0] =	vst v3;
	v1 =	vadd.f32 v1, v2  }
0xa9: {  	[tilespmem:s10+$0xFFFFFFF0] =	vst v0  }
0xaa: {  	[tilespmem:s10+$0x0] =	vst v1  }
0xab: {  	s9 =	rddreg [dreg:$0xf]  }
0xac: {  	[hbm4b:s9+s1] =	stream.linear.scatter [tilespmem:s4], [sflag:$0x4], $0x2000, $0x38;
	[tilespmem:$0x11000] =	vst v63  }
0xad: {  	s12 =	rddreg [dreg:$0x10]  }
0xae: {  	[hbm4b:s12+s1] =	stream.linear.scatter [tilespmem:s5], [sflag:$0x4], $0x2000, $0x38;
	[tilespmem:$0x11000] =	vst v63  }
0xaf: {  	_ = 	snop  }
0xb0: {  	[tilespmem:s29], [sflag:$0x2] =	stream.linear.gather [hbm4b:s14+s1], $0x2000, $0x38;
	[tilespmem:$0x11000] =	vst v63  }
0xb1: {  	_ = 	snop  }
0xb2: {  	[tilespmem:s30], [sflag:$0x2] =	stream.linear.gather [hbm4b:s15+s1], $0x2000, $0x38;
	[tilespmem:$0x11000] =	vst v63  }
0xb3: {  	_ =	swait.ge [sflag:s31], $0x2000  }
0xb4: {  	[sflag:s31] =	ssyncset.done $0x0  }
0xb5: {  	[sflag:s31] =	ssyncadd.s32 $0xFFFFE000  }
0xb6: {  	_ =	swait.ge [sflag:s31], $0x2000  }
0xb7: {  	[sflag:s31] =	ssyncset.done $0x0  }
0xb8: {  	[sflag:s31] =	ssyncadd.s32 $0xFFFFE000  }
0xb9: {  	_ =	swait.ge [sflag:s6], $0x1000  }
0xba: {  	[sflag:s6] =	ssyncset.done $0x0  }
0xbb: {  	[sflag:s6] =	ssyncadd.s32 $0xFFFFF000  }
0xbc: {  	_ =	swait.ge [sflag:s6], $0x1000  }
0xbd: {  	[sflag:s6] =	ssyncset.done $0x0  }
0xbe: {  	s13 =	simm.s32 $0x1020;
	[sflag:s6] =	ssyncadd.s32 $0xFFFFF000  }
0xbf: {  	v0 =	vld [tilespmem:s13+$0x10];
	_ =	sdelay $0x2  }
0xc0: {  	v1 =	vld [tilespmem:s13+$0xFFFFFFE0]  }
0xc1: {  	v2 =	vld [tilespmem:s13+$0xFFFFFFF0]  }
0xc2: {  	s9 =	simm.s32 $0x5020;
	v8 =	vld [tilespmem:s13+$0x0];
	v3 =	vadd.s32 $0x400, v0  }
0xc3: {  	v6 =	vld [tilespmem:s9+$0x10]  }
0xc4: {  	v13 =	vld [tilespmem:s9+$0xFFFFFFE0];
	v4 =	vadd.s32 $0x800, v0  }
0xc5: {  	v5 =	vld.idx.msk [tilespmem:v0+s1+$0x0], $0xffff  }
0xc6: {  	v16 =	vld [tilespmem:s9+$0xFFFFFFF0];
	v0 =	vadd.s32 $0xC00, v0  }
0xc7: {  	v3 =	vld.idx.msk [tilespmem:v3+s1+$0x0], $0xffff  }
0xc8: {  	v18 =	vld [tilespmem:s9+$0x0]  }
0xc9: {  	v9 =	vadd.s32 $0x400, v1;
	v4 =	vld.idx.msk [tilespmem:v4+s1+$0x0], $0xffff  }
0xca: {  	v14 =	vadd.s32 $0x800, v1;
	v7 =	vld.idx.msk [tilespmem:v1+s1+$0x0], $0xffff;
	v5 =	vmul.f32 v5, v6  }
0xcb: {  	v11 =	vld.idx.msk [tilespmem:v0+s1+$0x0], $0xffff;
	v0 =	vadd.s32 $0x400, v2  }
0xcc: {  	v10 =	vld.idx.msk [tilespmem:v2+s1+$0x0], $0xffff;
	v6 =	vadd.s32 $0x400, v8;
	v15 =	vadd.f32 v3, v5  }
0xcd: {  	v17 =	vadd.s32 $0x800, v2;
	v12 =	vld.idx.msk [tilespmem:v8+s1+$0x0], $0xffff  }
0xce: {  	v5 =	vld.idx.msk [tilespmem:v9+s1+$0x0], $0xffff;
	v3 =	vmul.f32 v15, v4  }
0xcf: {  	v9 =	vmul.f32 v7, v13;
	v7 =	vld.idx.msk [tilespmem:v14+s1+$0x0], $0xffff  }
0xd0: {  	s11 =	simm.s32 $0x9020;
	v4 =	vld.idx.msk [tilespmem:v0+s1+$0x0], $0xffff;
	v11 =	vadd.f32 v11, v3  }
0xd1: {  	s10 =	simm.s32 $0xD020;
	v10 =	vmul.f32 v10, v16;
	[tilespmem:s11+$0x10] =	vst v15;
	v0 =	vadd.s32 $0xC00, v2;
	v6 =	vld.idx.msk [tilespmem:v6+s1+$0x0], $0xffff;
	v2 =	vadd.s32 $0x800, v8  }
0xd2: {  	s12 =	simm.s32 $0x0;
	s13 =	simm.s32 $0x1060;
	v3 =	vadd.s32 $0xC00, v1;
	v1 =	vadd.s32 $0xC00, v8;
	v8 =	vld.idx.msk [tilespmem:v17+s1+$0x0], $0xffff;
	[tilespmem:s10+$0x10] =	vst v11;
	v11 =	vmul.f32 v12, v18  }
.LBB2_6:
0xd3: {  	v12 =	vld [tilespmem:s13+$0x10];
	s12 =	sadd.s32 $0x4, s12  }
0xd4: {  	v5 =	vadd.f32 v5, v9;
	v13 =	vld [tilespmem:s13+$0xFFFFFFF0];
	p0 =	slt.u32 s12, $0x1FC  }
0xd5: {  	v4 =	vadd.f32 v4, v10;
	v9 =	vld [tilespmem:s13+$0x0]  }
0xd6: {  	v6 =	vadd.f32 v6, v11;
	v10 =	vld [tilespmem:s13+$0xFFFFFFE0]  }
0xd7: {  	v7 =	vmul.f32 v5, v7;
	v11 =	vld.idx.msk [tilespmem:v2+s1+$0x0], $0xffff  }
0xd8: {  	v14 =	vadd.s32 $0x400, v12;
	v15 =	vld.idx.msk [tilespmem:v3+s1+$0x0], $0xffff;
	[tilespmem:s11+$0xFFFFFFE0] =	vst v5;
	v5 =	vmul.f32 v4, v8  }
0xd9: {  	v8 =	vadd.s32 $0x400, v13;
	v16 =	vadd.s32 $0x800, v13;
	v17 =	vld.idx.msk [tilespmem:v0+s1+$0x0], $0xffff;
	v0 =	vadd.s32 $0xC00, v13;
	[tilespmem:s11+$0xFFFFFFF0] =	vst v4  }
0xda: {  	v4 =	vadd.s32 $0x800, v12;
	v18 =	vadd.s32 $0x400, v9;
	v2 =	vadd.s32 $0x800, v9;
	v19 =	vld.idx.msk [tilespmem:v1+s1+$0x0], $0xffff;
	[tilespmem:s11+$0x0] =	vst v6  }
0xdb: {  	s9 =	sadd.s32 $0x40, s9;
	v20 =	vadd.s32 $0x400, v10;
	v21 =	vadd.s32 $0x800, v10;
	v3 =	vadd.s32 $0xC00, v10;
	v22 =	vld.idx.msk [tilespmem:v12+s1+$0x0], $0xffff  }
0xdc: {  	v1 =	vadd.s32 $0xC00, v9;
	v12 =	vadd.s32 $0xC00, v12;
	v23 =	vld [tilespmem:s9+$0x10]  }
0xdd: {  	v6 =	vmul.f32 v6, v11;
	v14 =	vld.idx.msk [tilespmem:v14+s1+$0x0], $0xffff  }
0xde: {  	v7 =	vadd.f32 v15, v7;
	v10 =	vld.idx.msk [tilespmem:v10+s1+$0x0], $0xffff  }
0xdf: {  	v5 =	vadd.f32 v17, v5;
	v4 =	vld.idx.msk [tilespmem:v4+s1+$0x0], $0xffff  }
0xe0: {  	v6 =	vadd.f32 v19, v6;
	v11 =	vld.idx.msk [tilespmem:v13+s1+$0x0], $0xffff;
	[tilespmem:s10+$0xFFFFFFE0] =	vst v7  }
0xe1: {  	v7 =	vld.idx.msk [tilespmem:v12+s1+$0x0], $0xffff;
	v12 =	vmul.f32 v22, v23;
	[tilespmem:s10+$0xFFFFFFF0] =	vst v5  }
0xe2: {  	v13 =	vld.idx.msk [tilespmem:v9+s1+$0x0], $0xffff;
	[tilespmem:s10+$0x0] =	vst v6  }
0xe3: {  	v6 =	vld [tilespmem:s9+$0xFFFFFFE0];
	v12 =	vadd.f32 v14, v12  }
0xe4: {  	v14 =	vld [tilespmem:s9+$0xFFFFFFF0]  }
0xe5: {  	v15 =	vld [tilespmem:s9+$0x0];
	v9 =	vmul.f32 v12, v4  }
.Ltmp2:
0xe6: {  	v5 =	vld.idx.msk [tilespmem:v20+s1+$0x0], $0xffff;
	(pc) =	sbr.rel @p0 .LBB2_6-.Ltmp2, $4  }
0xe7: {  	s11 =	sadd.s32 $0x40, s11;
	v4 =	vld.idx.msk [tilespmem:v8+s1+$0x0], $0xffff;
	v8 =	vadd.f32 v7, v9  }
0xe8: {  	s10 =	sadd.s32 $0x40, s10;
	v9 =	vmul.f32 v10, v6;
	v6 =	vld.idx.msk [tilespmem:v18+s1+$0x0], $0xffff;
	[tilespmem:s11+$0x10] =	vst v12  }
0xe9: {  	v7 =	vld.idx.msk [tilespmem:v21+s1+$0x0], $0xffff;
	v10 =	vmul.f32 v11, v14;
	[tilespmem:s10+$0x10] =	vst v8  }
0xea: {  	s13 =	sadd.s32 $0x40, s13;
	v8 =	vld.idx.msk [tilespmem:v16+s1+$0x0], $0xffff;
	v11 =	vmul.f32 v13, v15  }
0xeb: {  	_ =	sdelay $0x3  }
0xec: {  	v2 =	vld.idx.msk [tilespmem:v2+s1+$0x0], $0xffff  }
0xed: {  	v3 =	vld.idx.msk [tilespmem:v3+s1+$0x0], $0xffff  }
0xee: {  	v5 =	vadd.f32 v5, v9;
	v0 =	vld.idx.msk [tilespmem:v0+s1+$0x0], $0xffff  }
0xef: {  	v1 =	vld.idx.msk [tilespmem:v1+s1+$0x0], $0xffff;
	v4 =	vadd.f32 v4, v10  }
0xf0: {  	v6 =	vadd.f32 v6, v11;
	v7 =	vmul.f32 v5, v7  }
0xf1: {  	[tilespmem:s11+$0xFFFFFFE0] =	vst v5;
	v5 =	vmul.f32 v4, v8  }
0xf2: {  	[tilespmem:s11+$0xFFFFFFF0] =	vst v4;
	v2 =	vmul.f32 v6, v2;
	v3 =	vadd.f32 v3, v7  }
0xf3: {  	[tilespmem:s11+$0x0] =	vst v6;
	v0 =	vadd.f32 v0, v5  }
0xf4: {  	[tilespmem:s10+$0xFFFFFFE0] =	vst v3;
	v1 =	vadd.f32 v1, v2  }
0xf5: {  	[tilespmem:s10+$0xFFFFFFF0] =	vst v0  }
0xf6: {  	[tilespmem:s10+$0x0] =	vst v1  }
0xf7: {  	[hbm4b:s16+s1] =	stream.linear.scatter [tilespmem:s0], [sflag:$0x3], $0x2000, $0x38;
	[tilespmem:$0x11000] =	vst v63  }
0xf8: {  	_ = 	snop  }
0xf9: {  	[hbm4b:s17+s1] =	stream.linear.scatter [tilespmem:s2], [sflag:$0x3], $0x2000, $0x38;
	[tilespmem:$0x11000] =	vst v63  }
0xfa: {  	_ = 	snop  }
0xfb: {  	[tilespmem:s25], [sflag:$0x1] =	stream.linear.gather [hbm4b:s18+s1], $0x1000, $0x38;
	[tilespmem:$0x11000] =	vst v63  }
0xfc: {  	_ = 	snop  }
0xfd: {  	[tilespmem:s26], [sflag:$0x1] =	stream.linear.gather [hbm4b:s19+s1], $0x1000, $0x38;
	[tilespmem:$0x11000] =	vst v63  }
0xfe: {  	_ =	swait.ge [sflag:s3], $0x2000  }
0xff: {  	[sflag:s3] =	ssyncset.done $0x0  }
0x100: {  	[sflag:s3] =	ssyncadd.s32 $0xFFFFE000  }
0x101: {  	_ =	swait.ge [sflag:s3], $0x2000  }
0x102: {  	[sflag:s3] =	ssyncset.done $0x0  }
0x103: {  	[sflag:s3] =	ssyncadd.s32 $0xFFFFE000  }
0x104: {  	_ =	swait.ge [sflag:s7], $0x2000  }
0x105: {  	[sflag:s7] =	ssyncset.done $0x0  }
0x106: {  	[sflag:s7] =	ssyncadd.s32 $0xFFFFE000  }
0x107: {  	_ =	swait.ge [sflag:s7], $0x2000  }
0x108: {  	[sflag:s7] =	ssyncset.done $0x0  }
0x109: {  	s9 =	simm.s32 $0x3020;
	[sflag:s7] =	ssyncadd.s32 $0xFFFFE000  }
0x10a: {  	v0 =	vld [tilespmem:s9+$0x10];
	_ =	sdelay $0x2  }
0x10b: {  	v1 =	vld [tilespmem:s9+$0xFFFFFFE0]  }
0x10c: {  	v2 =	vld [tilespmem:s9+$0xFFFFFFF0]  }
0x10d: {  	v8 =	vld [tilespmem:s9+$0x0];
	s9 =	simm.s32 $0x7020;
	v3 =	vadd.s32 $0x400, v0  }
0x10e: {  	v6 =	vld [tilespmem:s9+$0x10]  }
0x10f: {  	v13 =	vld [tilespmem:s9+$0xFFFFFFE0];
	v4 =	vadd.s32 $0x800, v0  }
0x110: {  	v5 =	vld.idx.msk [tilespmem:v0+s1+$0x0], $0xffff  }
0x111: {  	v16 =	vld [tilespmem:s9+$0xFFFFFFF0];
	v0 =	vadd.s32 $0xC00, v0  }
0x112: {  	v3 =	vld.idx.msk [tilespmem:v3+s1+$0x0], $0xffff  }
0x113: {  	v18 =	vld [tilespmem:s9+$0x0]  }
0x114: {  	v9 =	vadd.s32 $0x400, v1;
	v4 =	vld.idx.msk [tilespmem:v4+s1+$0x0], $0xffff  }
0x115: {  	v14 =	vadd.s32 $0x800, v1;
	v7 =	vld.idx.msk [tilespmem:v1+s1+$0x0], $0xffff;
	v5 =	vmul.f32 v5, v6  }
0x116: {  	v11 =	vld.idx.msk [tilespmem:v0+s1+$0x0], $0xffff;
	v0 =	vadd.s32 $0x400, v2  }
0x117: {  	v10 =	vld.idx.msk [tilespmem:v2+s1+$0x0], $0xffff;
	v6 =	vadd.s32 $0x400, v8;
	v15 =	vadd.f32 v3, v5  }
0x118: {  	v17 =	vadd.s32 $0x800, v2;
	v12 =	vld.idx.msk [tilespmem:v8+s1+$0x0], $0xffff  }
0x119: {  	v5 =	vld.idx.msk [tilespmem:v9+s1+$0x0], $0xffff;
	v3 =	vmul.f32 v15, v4  }
0x11a: {  	v9 =	vmul.f32 v7, v13;
	v7 =	vld.idx.msk [tilespmem:v14+s1+$0x0], $0xffff  }
0x11b: {  	s11 =	simm.s32 $0xB020;
	v4 =	vld.idx.msk [tilespmem:v0+s1+$0x0], $0xffff;
	v11 =	vadd.f32 v11, v3  }
0x11c: {  	s10 =	simm.s32 $0xF020;
	v10 =	vmul.f32 v10, v16;
	[tilespmem:s11+$0x10] =	vst v15;
	v0 =	vadd.s32 $0xC00, v2;
	v6 =	vld.idx.msk [tilespmem:v6+s1+$0x0], $0xffff;
	v2 =	vadd.s32 $0x800, v8  }
0x11d: {  	s12 =	simm.s32 $0x0;
	s13 =	simm.s32 $0x3060;
	v3 =	vadd.s32 $0xC00, v1;
	v1 =	vadd.s32 $0xC00, v8;
	v8 =	vld.idx.msk [tilespmem:v17+s1+$0x0], $0xffff;
	[tilespmem:s10+$0x10] =	vst v11;
	v11 =	vmul.f32 v12, v18  }
.LBB2_8:
0x11e: {  	v12 =	vld [tilespmem:s13+$0x10];
	s12 =	sadd.s32 $0x4, s12  }
0x11f: {  	v5 =	vadd.f32 v5, v9;
	v13 =	vld [tilespmem:s13+$0xFFFFFFF0];
	p0 =	slt.u32 s12, $0x1FC  }
0x120: {  	v4 =	vadd.f32 v4, v10;
	v9 =	vld [tilespmem:s13+$0x0]  }
0x121: {  	v6 =	vadd.f32 v6, v11;
	v10 =	vld [tilespmem:s13+$0xFFFFFFE0]  }
0x122: {  	v7 =	vmul.f32 v5, v7;
	v11 =	vld.idx.msk [tilespmem:v2+s1+$0x0], $0xffff  }
0x123: {  	v14 =	vadd.s32 $0x400, v12;
	v15 =	vld.idx.msk [tilespmem:v3+s1+$0x0], $0xffff;
	[tilespmem:s11+$0xFFFFFFE0] =	vst v5;
	v5 =	vmul.f32 v4, v8  }
0x124: {  	v8 =	vadd.s32 $0x400, v13;
	v16 =	vadd.s32 $0x800, v13;
	v17 =	vld.idx.msk [tilespmem:v0+s1+$0x0], $0xffff;
	v0 =	vadd.s32 $0xC00, v13;
	[tilespmem:s11+$0xFFFFFFF0] =	vst v4  }
0x125: {  	v4 =	vadd.s32 $0x800, v12;
	v18 =	vadd.s32 $0x400, v9;
	v2 =	vadd.s32 $0x800, v9;
	v19 =	vld.idx.msk [tilespmem:v1+s1+$0x0], $0xffff;
	[tilespmem:s11+$0x0] =	vst v6  }
0x126: {  	s9 =	sadd.s32 $0x40, s9;
	v20 =	vadd.s32 $0x400, v10;
	v21 =	vadd.s32 $0x800, v10;
	v3 =	vadd.s32 $0xC00, v10;
	v22 =	vld.idx.msk [tilespmem:v12+s1+$0x0], $0xffff  }
0x127: {  	v1 =	vadd.s32 $0xC00, v9;
	v12 =	vadd.s32 $0xC00, v12;
	v23 =	vld [tilespmem:s9+$0x10]  }
0x128: {  	v6 =	vmul.f32 v6, v11;
	v14 =	vld.idx.msk [tilespmem:v14+s1+$0x0], $0xffff  }
0x129: {  	v7 =	vadd.f32 v15, v7;
	v10 =	vld.idx.msk [tilespmem:v10+s1+$0x0], $0xffff  }
0x12a: {  	v5 =	vadd.f32 v17, v5;
	v4 =	vld.idx.msk [tilespmem:v4+s1+$0x0], $0xffff  }
0x12b: {  	v6 =	vadd.f32 v19, v6;
	v11 =	vld.idx.msk [tilespmem:v13+s1+$0x0], $0xffff;
	[tilespmem:s10+$0xFFFFFFE0] =	vst v7  }
0x12c: {  	v7 =	vld.idx.msk [tilespmem:v12+s1+$0x0], $0xffff;
	v12 =	vmul.f32 v22, v23;
	[tilespmem:s10+$0xFFFFFFF0] =	vst v5  }
0x12d: {  	v13 =	vld.idx.msk [tilespmem:v9+s1+$0x0], $0xffff;
	[tilespmem:s10+$0x0] =	vst v6  }
0x12e: {  	v6 =	vld [tilespmem:s9+$0xFFFFFFE0];
	v12 =	vadd.f32 v14, v12  }
0x12f: {  	v14 =	vld [tilespmem:s9+$0xFFFFFFF0]  }
0x130: {  	v15 =	vld [tilespmem:s9+$0x0];
	v9 =	vmul.f32 v12, v4  }
.Ltmp3:
0x131: {  	v5 =	vld.idx.msk [tilespmem:v20+s1+$0x0], $0xffff;
	(pc) =	sbr.rel @p0 .LBB2_8-.Ltmp3, $4  }
0x132: {  	s11 =	sadd.s32 $0x40, s11;
	v4 =	vld.idx.msk [tilespmem:v8+s1+$0x0], $0xffff;
	v8 =	vadd.f32 v7, v9  }
0x133: {  	s10 =	sadd.s32 $0x40, s10;
	v9 =	vmul.f32 v10, v6;
	v6 =	vld.idx.msk [tilespmem:v18+s1+$0x0], $0xffff;
	[tilespmem:s11+$0x10] =	vst v12  }
0x134: {  	v7 =	vld.idx.msk [tilespmem:v21+s1+$0x0], $0xffff;
	v10 =	vmul.f32 v11, v14;
	[tilespmem:s10+$0x10] =	vst v8  }
0x135: {  	s13 =	sadd.s32 $0x40, s13;
	v8 =	vld.idx.msk [tilespmem:v16+s1+$0x0], $0xffff;
	v11 =	vmul.f32 v13, v15  }
0x136: {  	_ =	sdelay $0x3  }
0x137: {  	v2 =	vld.idx.msk [tilespmem:v2+s1+$0x0], $0xffff  }
0x138: {  	v3 =	vld.idx.msk [tilespmem:v3+s1+$0x0], $0xffff  }
0x139: {  	v5 =	vadd.f32 v5, v9;
	v0 =	vld.idx.msk [tilespmem:v0+s1+$0x0], $0xffff  }
0x13a: {  	v1 =	vld.idx.msk [tilespmem:v1+s1+$0x0], $0xffff;
	v4 =	vadd.f32 v4, v10  }
0x13b: {  	v6 =	vadd.f32 v6, v11;
	v7 =	vmul.f32 v5, v7  }
0x13c: {  	[tilespmem:s11+$0xFFFFFFE0] =	vst v5;
	v5 =	vmul.f32 v4, v8  }
0x13d: {  	[tilespmem:s11+$0xFFFFFFF0] =	vst v4;
	v2 =	vmul.f32 v6, v2;
	v3 =	vadd.f32 v3, v7  }
0x13e: {  	[tilespmem:s11+$0x0] =	vst v6;
	v0 =	vadd.f32 v0, v5  }
0x13f: {  	[tilespmem:s10+$0xFFFFFFE0] =	vst v3;
	v1 =	vadd.f32 v1, v2  }
0x140: {  	[tilespmem:s10+$0xFFFFFFF0] =	vst v0  }
0x141: {  	[tilespmem:s10+$0x0] =	vst v1  }
0x142: {  	[hbm4b:s20+s1] =	stream.linear.scatter [tilespmem:s4], [sflag:$0x4], $0x2000, $0x38;
	[tilespmem:$0x11000] =	vst v63  }
0x143: {  	_ = 	snop  }
0x144: {  	[hbm4b:s21+s1] =	stream.linear.scatter [tilespmem:s5], [sflag:$0x4], $0x2000, $0x38;
	[tilespmem:$0x11000] =	vst v63  }
0x145: {  	_ =	swait.ge [sflag:s31], $0x1000  }
0x146: {  	[sflag:s31] =	ssyncset.done $0x0  }
0x147: {  	[sflag:s31] =	ssyncadd.s32 $0xFFFFF000  }
0x148: {  	_ =	swait.ge [sflag:s31], $0x1000  }
0x149: {  	[sflag:s31] =	ssyncset.done $0x0  }
0x14a: {  	[sflag:s31] =	ssyncadd.s32 $0xFFFFF000  }
0x14b: {  	_ =	swait.ge [sflag:s6], $0x2000  }
0x14c: {  	[sflag:s6] =	ssyncset.done $0x0  }
0x14d: {  	[sflag:s6] =	ssyncadd.s32 $0xFFFFE000  }
0x14e: {  	_ =	swait.ge [sflag:s6], $0x2000  }
0x14f: {  	[sflag:s6] =	ssyncset.done $0x0  }
0x150: {  	s9 =	simm.s32 $0x1020;
	[sflag:s6] =	ssyncadd.s32 $0xFFFFE000  }
0x151: {  	v0 =	vld [tilespmem:s9+$0x10];
	_ =	sdelay $0x2  }
0x152: {  	v1 =	vld [tilespmem:s9+$0xFFFFFFE0]  }
0x153: {  	v2 =	vld [tilespmem:s9+$0xFFFFFFF0]  }
0x154: {  	v8 =	vld [tilespmem:s9+$0x0];
	s9 =	simm.s32 $0x5020;
	v3 =	vadd.s32 $0x400, v0  }
0x155: {  	v6 =	vld [tilespmem:s9+$0x10]  }
0x156: {  	v13 =	vld [tilespmem:s9+$0xFFFFFFE0];
	v4 =	vadd.s32 $0x800, v0  }
0x157: {  	v5 =	vld.idx.msk [tilespmem:v0+s1+$0x0], $0xffff  }
0x158: {  	v16 =	vld [tilespmem:s9+$0xFFFFFFF0];
	v0 =	vadd.s32 $0xC00, v0  }
0x159: {  	v3 =	vld.idx.msk [tilespmem:v3+s1+$0x0], $0xffff  }
0x15a: {  	v18 =	vld [tilespmem:s9+$0x0]  }
0x15b: {  	v9 =	vadd.s32 $0x400, v1;
	v4 =	vld.idx.msk [tilespmem:v4+s1+$0x0], $0xffff  }
0x15c: {  	v14 =	vadd.s32 $0x800, v1;
	v7 =	vld.idx.msk [tilespmem:v1+s1+$0x0], $0xffff;
	v5 =	vmul.f32 v5, v6  }
0x15d: {  	v11 =	vld.idx.msk [tilespmem:v0+s1+$0x0], $0xffff;
	v0 =	vadd.s32 $0x400, v2  }
0x15e: {  	v10 =	vld.idx.msk [tilespmem:v2+s1+$0x0], $0xffff;
	v6 =	vadd.s32 $0x400, v8;
	v15 =	vadd.f32 v3, v5  }
0x15f: {  	v17 =	vadd.s32 $0x800, v2;
	v12 =	vld.idx.msk [tilespmem:v8+s1+$0x0], $0xffff  }
0x160: {  	v5 =	vld.idx.msk [tilespmem:v9+s1+$0x0], $0xffff;
	v3 =	vmul.f32 v15, v4  }
0x161: {  	v9 =	vmul.f32 v7, v13;
	v7 =	vld.idx.msk [tilespmem:v14+s1+$0x0], $0xffff  }
0x162: {  	s11 =	simm.s32 $0x9020;
	v4 =	vld.idx.msk [tilespmem:v0+s1+$0x0], $0xffff;
	v11 =	vadd.f32 v11, v3  }
0x163: {  	s10 =	simm.s32 $0xD020;
	v10 =	vmul.f32 v10, v16;
	[tilespmem:s11+$0x10] =	vst v15;
	v0 =	vadd.s32 $0xC00, v2;
	v6 =	vld.idx.msk [tilespmem:v6+s1+$0x0], $0xffff;
	v2 =	vadd.s32 $0x800, v8  }
0x164: {  	s12 =	simm.s32 $0x0;
	s13 =	simm.s32 $0x1060;
	v3 =	vadd.s32 $0xC00, v1;
	v1 =	vadd.s32 $0xC00, v8;
	v8 =	vld.idx.msk [tilespmem:v17+s1+$0x0], $0xffff;
	[tilespmem:s10+$0x10] =	vst v11;
	v11 =	vmul.f32 v12, v18  }
.LBB2_10:
0x165: {  	v12 =	vld [tilespmem:s13+$0x10];
	s12 =	sadd.s32 $0x4, s12  }
0x166: {  	v5 =	vadd.f32 v5, v9;
	v13 =	vld [tilespmem:s13+$0xFFFFFFF0];
	p0 =	slt.u32 s12, $0xFC  }
0x167: {  	v4 =	vadd.f32 v4, v10;
	v9 =	vld [tilespmem:s13+$0x0]  }
0x168: {  	v6 =	vadd.f32 v6, v11;
	v10 =	vld [tilespmem:s13+$0xFFFFFFE0]  }
0x169: {  	v7 =	vmul.f32 v5, v7;
	v11 =	vld.idx.msk [tilespmem:v2+s1+$0x0], $0xffff  }
0x16a: {  	v14 =	vadd.s32 $0x400, v12;
	v15 =	vld.idx.msk [tilespmem:v3+s1+$0x0], $0xffff;
	[tilespmem:s11+$0xFFFFFFE0] =	vst v5;
	v5 =	vmul.f32 v4, v8  }
0x16b: {  	v8 =	vadd.s32 $0x400, v13;
	v16 =	vadd.s32 $0x800, v13;
	v17 =	vld.idx.msk [tilespmem:v0+s1+$0x0], $0xffff;
	v0 =	vadd.s32 $0xC00, v13;
	[tilespmem:s11+$0xFFFFFFF0] =	vst v4  }
0x16c: {  	v4 =	vadd.s32 $0x800, v12;
	v18 =	vadd.s32 $0x400, v9;
	v2 =	vadd.s32 $0x800, v9;
	v19 =	vld.idx.msk [tilespmem:v1+s1+$0x0], $0xffff;
	[tilespmem:s11+$0x0] =	vst v6  }
0x16d: {  	s9 =	sadd.s32 $0x40, s9;
	v20 =	vadd.s32 $0x400, v10;
	v21 =	vadd.s32 $0x800, v10;
	v3 =	vadd.s32 $0xC00, v10;
	v22 =	vld.idx.msk [tilespmem:v12+s1+$0x0], $0xffff  }
0x16e: {  	v1 =	vadd.s32 $0xC00, v9;
	v12 =	vadd.s32 $0xC00, v12;
	v23 =	vld [tilespmem:s9+$0x10]  }
0x16f: {  	v6 =	vmul.f32 v6, v11;
	v14 =	vld.idx.msk [tilespmem:v14+s1+$0x0], $0xffff  }
0x170: {  	v7 =	vadd.f32 v15, v7;
	v10 =	vld.idx.msk [tilespmem:v10+s1+$0x0], $0xffff  }
0x171: {  	v5 =	vadd.f32 v17, v5;
	v4 =	vld.idx.msk [tilespmem:v4+s1+$0x0], $0xffff  }
0x172: {  	v6 =	vadd.f32 v19, v6;
	v11 =	vld.idx.msk [tilespmem:v13+s1+$0x0], $0xffff;
	[tilespmem:s10+$0xFFFFFFE0] =	vst v7  }
0x173: {  	v7 =	vld.idx.msk [tilespmem:v12+s1+$0x0], $0xffff;
	v12 =	vmul.f32 v22, v23;
	[tilespmem:s10+$0xFFFFFFF0] =	vst v5  }
0x174: {  	v13 =	vld.idx.msk [tilespmem:v9+s1+$0x0], $0xffff;
	[tilespmem:s10+$0x0] =	vst v6  }
0x175: {  	v6 =	vld [tilespmem:s9+$0xFFFFFFE0];
	v12 =	vadd.f32 v14, v12  }
0x176: {  	v14 =	vld [tilespmem:s9+$0xFFFFFFF0]  }
0x177: {  	v15 =	vld [tilespmem:s9+$0x0];
	v9 =	vmul.f32 v12, v4  }
.Ltmp4:
0x178: {  	v5 =	vld.idx.msk [tilespmem:v20+s1+$0x0], $0xffff;
	(pc) =	sbr.rel @p0 .LBB2_10-.Ltmp4, $4  }
0x179: {  	s11 =	sadd.s32 $0x40, s11;
	v4 =	vld.idx.msk [tilespmem:v8+s1+$0x0], $0xffff;
	v8 =	vadd.f32 v7, v9  }
0x17a: {  	s10 =	sadd.s32 $0x40, s10;
	v9 =	vmul.f32 v10, v6;
	v6 =	vld.idx.msk [tilespmem:v18+s1+$0x0], $0xffff;
	[tilespmem:s11+$0x10] =	vst v12  }
0x17b: {  	v7 =	vld.idx.msk [tilespmem:v21+s1+$0x0], $0xffff;
	v10 =	vmul.f32 v11, v14;
	[tilespmem:s10+$0x10] =	vst v8  }
0x17c: {  	s13 =	sadd.s32 $0x40, s13;
	v8 =	vld.idx.msk [tilespmem:v16+s1+$0x0], $0xffff;
	v11 =	vmul.f32 v13, v15  }
0x17d: {  	_ =	sdelay $0x3  }
0x17e: {  	v2 =	vld.idx.msk [tilespmem:v2+s1+$0x0], $0xffff  }
0x17f: {  	v3 =	vld.idx.msk [tilespmem:v3+s1+$0x0], $0xffff  }
0x180: {  	v5 =	vadd.f32 v5, v9;
	v0 =	vld.idx.msk [tilespmem:v0+s1+$0x0], $0xffff  }
0x181: {  	v1 =	vld.idx.msk [tilespmem:v1+s1+$0x0], $0xffff;
	v4 =	vadd.f32 v4, v10  }
0x182: {  	v6 =	vadd.f32 v6, v11;
	v7 =	vmul.f32 v5, v7  }
0x183: {  	[tilespmem:s11+$0xFFFFFFE0] =	vst v5;
	v63 =	vmul.f32 v4, v8  }
0x184: {  	[tilespmem:s11+$0xFFFFFFF0] =	vst v4;
	v2 =	vmul.f32 v6, v2;
	v3 =	vadd.f32 v3, v7  }
0x185: {  	[tilespmem:s11+$0x0] =	vst v6;
	v0 =	vadd.f32 v0, v63  }
0x186: {  	[tilespmem:s10+$0xFFFFFFE0] =	vst v3;
	v1 =	vadd.f32 v1, v2  }
0x187: {  	[tilespmem:s10+$0xFFFFFFF0] =	vst v0  }
0x188: {  	[tilespmem:s10+$0x0] =	vst v1  }
0x189: {  	[hbm4b:s22+s1] =	stream.linear.scatter [tilespmem:s0], [sflag:$0x3], $0x1000, $0x38;
	[tilespmem:$0x11000] =	vst v63  }
0x18a: {  	_ = 	snop  }
0x18b: {  	[hbm4b:s23+s1] =	stream.linear.scatter [tilespmem:s2], [sflag:$0x3], $0x1000, $0x38;
	[tilespmem:$0x11000] =	vst v63  }
0x18c: {  	_ =	swait.ge [sflag:s7], $0x2000  }
0x18d: {  	[sflag:s7] =	ssyncset.done $0x0  }
0x18e: {  	[sflag:s7] =	ssyncadd.s32 $0xFFFFE000  }
0x18f: {  	_ =	swait.ge [sflag:s7], $0x2000  }
0x190: {  	[sflag:s7] =	ssyncset.done $0x0  }
0x191: {  	s8 =	sadd.s32 $0x1, s8;
	[sflag:s7] =	ssyncadd.s32 $0xFFFFE000  }
0x192: {  	p0 =	sne.s32 s8, s24;
	_ =	swait.ge [sflag:s6], $0x1000  }
.Ltmp5:
0x193: {  	[sflag:s6] =	ssyncset.done $0x0;
	(pc) =	sbr.rel @p0 .LBB2_1-.Ltmp5, $4  }
0x194: {  	[sflag:s6] =	ssyncadd.s32 $0xFFFFF000  }
0x195: {  	_ =	swait.ge [sflag:s6], $0x1000  }
0x196: {  	[sflag:s6] =	ssyncset.done $0x0  }
0x197: {  	[sflag:s6] =	ssyncadd.s32 $0xFFFFF000  }
0x198: {  	_ =	sfence.sel $0x180000  }
0x199: {  	[bflag:$0x0] =	sbarrier.arrive $0xFFFF  }
0x19a: {  	_ =	strace $0x90000047  }
0x19b: {  	s0 =	stileid.u32;
	[bflag:$0x2] =	sbarrier.arrive $0xFFFF  }
0x19c: {  	p0 =	sne.s32 s0, $0x0;
	s0 =	rddreg [dreg:$0x5]  }
0x19d: {  	s0 =	sadd.s32 @!p0 $0x100000, s0  }
0x19e: {  	[sflag:s0] =	ssyncadd.tile.s32 @!p0 $0x1;
	_ =	shalt  }
.Lfunc_end2:
_tile_overlayer_lowered:
.L_overlay_start_2:
0x19f: {  	(tag) =	ssettag $0x2  }
0x1a0: {  	s0 =	rddreg [dreg:$0x0];
	s2 =	stileid.u32  }
0x1a1: {  	s1 =	rddreg [dreg:$0x1];
	p0 =	sne.s32 s2, $0x0  }
0x1a2: {  	s3 =	rddreg [dreg:$0x2];
	[bflag:$0x3] =	sbarrier.arrive $0xFFFF;
	s2 =	simm.s32 @!p0 $0x1C06  }
0x1a3: {  	[timem:s3], [sflag:s2] =	dma.local @!p0 [hbm:s0], s1  }
0x1a4: {  	s0 =	simm.s32 @!p0 $0x6  }
0x1a5: {  	_ =	swait.ge @!p0 [sflag:s0], s1  }
0x1a6: {  	s1 =	ssub.s32 @!p0 $0x0, s1;
	[sflag:s0] =	ssyncset.done @!p0 $0x0  }
0x1a7: {  	[sflag:s0] =	ssyncadd.s32 @!p0 s1  }
0x1a8: {  	[bflag:$0x3] =	sbarrier.arrive $0xFFFF  }
0x1a9: {  	_ =	shalt  }

</sc_bundles>
